<compile_context>
chip_gen: v7x
topology: tpu7x:2x2x1
jax: 0.10.2.dev20260603
libtpu: 0.0.44.dev20260713+nightly
codegen_flags: <defaults>
</compile_context>

<pallas_src>
import dataclasses
import functools

import jax
import jax.numpy as jnp
from jax import lax
from jax.experimental import pallas as pl
from jax.experimental.pallas import tpu as pltpu
from jax.experimental.pallas import tpu_sc as plsc

NC = 2
NS = 16
L = 16
NW = NC * NS

BATCH = 16384
D = 32
G = 128
BPW = BATCH // NW
CH = 256
NCHUNK = BPW // CH
_Q = 262144


def _mf_body(uidx_hbm, iidx_hbm, wg_hbm, hg_hbm, out_hbm,
             uidx_v, iidx_v, ugidx_v, igidx_v, u_v, v_v, out_v, sem_u, sem_v):
    wid = lax.axis_index("c") * NS + lax.axis_index("s")
    base = wid * BPW

    pltpu.sync_copy(uidx_hbm.at[pl.ds(base, BPW)], uidx_v)
    pltpu.sync_copy(iidx_hbm.at[pl.ds(base, BPW)], iidx_v)

    @pl.loop(0, BPW, step=L)
    def _(i):
        u = uidx_v[pl.ds(i, L)]
        t = iidx_v[pl.ds(i, L)]
        ugidx_v[pl.ds(i, L)] = jnp.bitwise_and(u, _Q - 1)
        igidx_v[pl.ds(i, L)] = jnp.bitwise_and(t, _Q - 1)

    iota = lax.iota(jnp.int32, L)

    @pl.loop(0, NCHUNK)
    def _(c):
        co = c * CH
        cu = pltpu.async_copy(wg_hbm.at[ugidx_v.at[pl.ds(co, CH)]], u_v, sem_u)
        cv = pltpu.async_copy(hg_hbm.at[igidx_v.at[pl.ds(co, CH)]], v_v, sem_v)
        cu.wait()
        cv.wait()

        @pl.loop(0, CH, step=L)
        def _(b):
            urem = jax.lax.shift_right_logical(uidx_v[pl.ds(co + b, L)], 18) * D
            irem = jax.lax.shift_right_logical(iidx_v[pl.ds(co + b, L)], 18) * D
            rows = b + iota
            acc = jnp.zeros((L,), jnp.float32)
            for j in range(D):
                cols = jnp.bitwise_and(iota + j, D - 1)
                u = plsc.load_gather(u_v, [rows, urem + cols])
                v = plsc.load_gather(v_v, [rows, irem + cols])
                acc = acc + u * v
            out_v[pl.ds(co + b, L)] = 1.0 / (1.0 + jnp.exp(-acc))

    pltpu.sync_copy(out_v, out_hbm.at[pl.ds(base, BPW)])


def _compiler_params():
    cp = pltpu.CompilerParams()
    fields = pltpu.CompilerParams.__dataclass_fields__
    if "needs_layout_passes" in fields:
        cp = dataclasses.replace(cp, needs_layout_passes=False)
    return cp


_SUB = 16384
_TGRID = _Q // _SUB


def _tp_body(w0_ref, w1_ref, w2_ref, w3_ref, og_ref):
    y = jnp.concatenate(
        [w0_ref[...], w1_ref[...], w2_ref[...], w3_ref[...]], axis=0)
    og_ref[...] = y.T


def _regroup(Wt):
    last_blk = (Wt.shape[1] - 1) // _SUB

    def spec(m):
        return pl.BlockSpec(
            (D, _SUB), lambda i, m=m: (0, jnp.minimum(_TGRID * m + i, last_blk)))
    return pl.pallas_call(
        _tp_body,
        out_shape=jax.ShapeDtypeStruct((_Q, G), jnp.float32),
        grid=(_TGRID,),
        in_specs=[spec(0), spec(1), spec(2), spec(3)],
        out_specs=pl.BlockSpec((_SUB, G), lambda i: (i, 0)),
    )(Wt, Wt, Wt, Wt)


def kernel(user_idx, item_idx, W, H):
    Wg = _regroup(W.T)
    Hg = _regroup(H.T)
    mesh = plsc.VectorSubcoreMesh(core_axis_name="c", subcore_axis_name="s")
    mf = functools.partial(
        pl.kernel,
        out_type=jax.ShapeDtypeStruct((BATCH,), jnp.float32),
        mesh=mesh,
        scratch_types=[
            pltpu.VMEM((BPW,), jnp.int32),
            pltpu.VMEM((BPW,), jnp.int32),
            pltpu.VMEM((BPW,), jnp.int32),
            pltpu.VMEM((BPW,), jnp.int32),
            pltpu.VMEM((CH, G), jnp.float32),
            pltpu.VMEM((CH, G), jnp.float32),
            pltpu.VMEM((BPW,), jnp.float32),
            pltpu.SemaphoreType.DMA,
            pltpu.SemaphoreType.DMA,
        ],
        compiler_params=_compiler_params(),
    )(_mf_body)
    return mf(user_idx.astype(jnp.int32), item_idx.astype(jnp.int32), Wg, Hg)

# --- scband reference (transcript-rebuilt; emitter-appended) ---
"""Pipeline reference for scband-mf-25357486916285 (READ-ONLY COPY).

The authoritative reference and input builder live on the scoring server;
editing this copy changes nothing except your own understanding.
"""

import jax, jax.numpy as jnp
import numpy as np

NUM_USERS = 1000000
NUM_ITEMS = 1000000
EMBED_K = 32
BATCH = 16384

def setup_inputs(seed: int = 0) -> dict:
    key = jax.random.key(seed)
    k1, k2, k3, k4 = jax.random.split(key, 4)
    user_idx = jax.random.randint(k1, (BATCH,), 0, NUM_USERS, dtype=jnp.int64) if jax.config.jax_enable_x64 else jax.random.randint(k1, (BATCH,), 0, NUM_USERS, dtype=jnp.int32)
    item_idx = jax.random.randint(k2, (BATCH,), 0, NUM_ITEMS, dtype=jnp.int64) if jax.config.jax_enable_x64 else jax.random.randint(k2, (BATCH,), 0, NUM_ITEMS, dtype=jnp.int32)
    W = jax.random.normal(k3, (NUM_USERS, EMBED_K), dtype=jnp.float32)
    H = jax.random.normal(k4, (NUM_ITEMS, EMBED_K), dtype=jnp.float32)
    return {"user_idx": user_idx, "item_idx": item_idx, "W": W, "H": H}

def reference(user_idx, item_idx, W, H):
    U_emb = jnp.take(W, user_idx, axis=0)
    V_emb = jnp.take(H, item_idx, axis=0)
    out = jnp.sum(U_emb * V_emb, axis=1)
    return jax.nn.sigmoid(out)

if __name__ == "__main__":
    import jax
    _d = setup_inputs()
    print(jax.jit(kernel)(*tuple(_d.values())))

</pallas_src>

<mosaic_0001>
#map = affine_map<(d0, d1) -> (0)>
#map1 = affine_map<(d0, d1) -> (0, 0)>
module attributes {stable_mosaic.version = 14 : i64} {
  func.func @_mf_body(%arg0: i32, %arg1: i32, %arg2: memref<16384xi32, #tpu.memory_space<hbm>>, %arg3: memref<16384xi32, #tpu.memory_space<hbm>>, %arg4: memref<262144x128xf32, #tpu.memory_space<hbm>>, %arg5: memref<262144x128xf32, #tpu.memory_space<hbm>>, %arg6: memref<16384xf32, #tpu.memory_space<hbm>>, %arg7: memref<512xi32, #tpu.memory_space<vmem>>, %arg8: memref<512xi32, #tpu.memory_space<vmem>>, %arg9: memref<512xi32, #tpu.memory_space<vmem>>, %arg10: memref<512xi32, #tpu.memory_space<vmem>>, %arg11: memref<256x128xf32, #tpu.memory_space<vmem>>, %arg12: memref<256x128xf32, #tpu.memory_space<vmem>>, %arg13: memref<512xf32, #tpu.memory_space<vmem>>, %arg14: memref<!tpu.dma_semaphore, #tpu.memory_space<semaphore_mem>>, %arg15: memref<!tpu.dma_semaphore, #tpu.memory_space<semaphore_mem>>) attributes {dimension_semantics = [#tpu.dimension_semantics<core_parallel>, #tpu.dimension_semantics<subcore_parallel>], iteration_bounds = array<i64: 2, 16>, scalar_prefetch = 0 : i64, scratch_operands = 9 : i64, tpu.core_type = #tpu.core_type<sc_vector_subcore>, window_params = [{transform_indices = #map}, {transform_indices = #map}, {transform_indices = #map1}, {transform_indices = #map1}, {transform_indices = #map}]} {
    %mul3A = arith.constant 16 : i32
    %mul3A_0 = arith.muli %arg0, %mul3A : i32
    %add3A = arith.addi %mul3A_0, %arg1 : i32
    %mul3A_1 = arith.constant 512 : i32
    %mul3A_2 = arith.muli %add3A, %mul3A_1 : i32
    "tpu.region"() ({
      %run_scoped3A = tpu.sem_alloc : memref<!tpu.dma_semaphore, #tpu.memory_space<semaphore_mem>>
      %dma_start3A = tpu.memref_slice %arg2[%mul3A_2] : memref<16384xi32, #tpu.memory_space<hbm>> -> memref<512xi32, #tpu.memory_space<hbm>>
      %dma_start3A_12 = tpu.memref_slice %arg2[%mul3A_2] : memref<16384xi32, #tpu.memory_space<hbm>> -> memref<512xi32, #tpu.memory_space<hbm>>
      tpu.enqueue_dma source(%dma_start3A_12 : memref<512xi32, #tpu.memory_space<hbm>>) target(%arg7 : memref<512xi32, #tpu.memory_space<vmem>>) target_semaphore(%run_scoped3A : memref<!tpu.dma_semaphore, #tpu.memory_space<semaphore_mem>>)
      %dma_wait3A = tpu.memref_slice %arg2[%mul3A_2] : memref<16384xi32, #tpu.memory_space<hbm>> -> memref<512xi32, #tpu.memory_space<hbm>>
      %dma_wait3A_13 = tpu.memref_slice %arg2[%mul3A_2] : memref<16384xi32, #tpu.memory_space<hbm>> -> memref<512xi32, #tpu.memory_space<hbm>>
      tpu.wait_dma2 semaphore(%run_scoped3A : memref<!tpu.dma_semaphore, #tpu.memory_space<semaphore_mem>>) src(%dma_wait3A_13 : memref<512xi32, #tpu.memory_space<hbm>>) dst(%arg7 : memref<512xi32, #tpu.memory_space<vmem>>)
      tpu.yield
    }) : () -> ()
    "tpu.region"() ({
      %run_scoped3A = tpu.sem_alloc : memref<!tpu.dma_semaphore, #tpu.memory_space<semaphore_mem>>
      %dma_start3A = tpu.memref_slice %arg3[%mul3A_2] : memref<16384xi32, #tpu.memory_space<hbm>> -> memref<512xi32, #tpu.memory_space<hbm>>
      %dma_start3A_12 = tpu.memref_slice %arg3[%mul3A_2] : memref<16384xi32, #tpu.memory_space<hbm>> -> memref<512xi32, #tpu.memory_space<hbm>>
      tpu.enqueue_dma source(%dma_start3A_12 : memref<512xi32, #tpu.memory_space<hbm>>) target(%arg8 : memref<512xi32, #tpu.memory_space<vmem>>) target_semaphore(%run_scoped3A : memref<!tpu.dma_semaphore, #tpu.memory_space<semaphore_mem>>)
      %dma_wait3A = tpu.memref_slice %arg3[%mul3A_2] : memref<16384xi32, #tpu.memory_space<hbm>> -> memref<512xi32, #tpu.memory_space<hbm>>
      %dma_wait3A_13 = tpu.memref_slice %arg3[%mul3A_2] : memref<16384xi32, #tpu.memory_space<hbm>> -> memref<512xi32, #tpu.memory_space<hbm>>
      tpu.wait_dma2 semaphore(%run_scoped3A : memref<!tpu.dma_semaphore, #tpu.memory_space<semaphore_mem>>) src(%dma_wait3A_13 : memref<512xi32, #tpu.memory_space<hbm>>) dst(%arg8 : memref<512xi32, #tpu.memory_space<vmem>>)
      tpu.yield
    }) : () -> ()
    %scan3A = arith.constant 0 : i32
    %scan3A_3 = arith.constant 32 : i32
    %scan3A_4 = arith.addi %scan3A, %scan3A_3 : i32
    %scan3A_5 = arith.constant 1 : i32
    scf.for %scan3A_12 = %scan3A to %scan3A_4 step %scan3A_5  : i32 {
      %mul3A_13 = arith.constant 16 : i32
      %mul3A_14 = arith.muli %scan3A_12, %mul3A_13 : i32
      %add3A_15 = arith.constant 0 : i32
      %add3A_16 = arith.addi %add3A_15, %mul3A_14 : i32
      %get3A = arith.index_cast %add3A_16 : i32 to index
      %get3A_17 = tpu.vector_load %arg7[%get3A] {strides = array<i32>} : memref<512xi32, #tpu.memory_space<vmem>>, vector<16xi32>,
      %get3A_18 = arith.index_cast %add3A_16 : i32 to index
      %get3A_19 = tpu.vector_load %arg8[%get3A_18] {strides = array<i32>} : memref<512xi32, #tpu.memory_space<vmem>>, vector<16xi32>,
      %and3A = arith.constant 262143 : i32
      %and3A_20 = vector.broadcast %and3A : i32 to vector<16xi32>
      %and3A_21 = arith.andi %get3A_17, %and3A_20 : vector<16xi32>
      %swap3A = arith.index_cast %add3A_16 : i32 to index
      %swap3A_22 = tpu.vector_load %arg9[%swap3A] {strides = array<i32>} : memref<512xi32, #tpu.memory_space<vmem>>, vector<16xi32>,
      tpu.vector_store %arg9[%swap3A], %and3A_21 {strides = array<i32>} : memref<512xi32, #tpu.memory_space<vmem>>, vector<16xi32>,
      %and3A_23 = arith.constant 262143 : i32
      %and3A_24 = vector.broadcast %and3A_23 : i32 to vector<16xi32>
      %and3A_25 = arith.andi %get3A_19, %and3A_24 : vector<16xi32>
      %swap3A_26 = arith.index_cast %add3A_16 : i32 to index
      %swap3A_27 = tpu.vector_load %arg10[%swap3A_26] {strides = array<i32>} : memref<512xi32, #tpu.memory_space<vmem>>, vector<16xi32>,
      tpu.vector_store %arg10[%swap3A_26], %and3A_25 {strides = array<i32>} : memref<512xi32, #tpu.memory_space<vmem>>, vector<16xi32>,
    }
    %scan3A_6 = arith.constant 32 : i32
    %iota3A = tpu.iota {dimensions = array<i32: 0>} : vector<16xi32>
    %scan3A_7 = arith.constant 0 : i32
    %scan3A_8 = arith.constant 2 : i32
    %scan3A_9 = arith.addi %scan3A_7, %scan3A_8 : i32
    %scan3A_10 = arith.constant 1 : i32
    scf.for %scan3A_12 = %scan3A_7 to %scan3A_9 step %scan3A_10  : i32 {
      %mul3A_13 = arith.constant 1 : i32
      %mul3A_14 = arith.muli %scan3A_12, %mul3A_13 : i32
      %add3A_15 = arith.constant 0 : i32
      %add3A_16 = arith.addi %add3A_15, %mul3A_14 : i32
      %mul3A_17 = arith.constant 256 : i32
      %mul3A_18 = arith.muli %add3A_16, %mul3A_17 : i32
      %dma_start3A = tpu.memref_slice %arg9[%mul3A_18] : memref<512xi32, #tpu.memory_space<vmem>> -> memref<256xi32, #tpu.memory_space<vmem>>
      %dma_start3A_19 = arith.constant 0 : i32
      %dma_start3A_20 = arith.constant 0 : i32
      %dma_start3A_21 = tpu.memref_slice %arg4[%dma_start3A_19, %dma_start3A_20] : memref<262144x128xf32, #tpu.memory_space<hbm>> -> memref<262144x128xf32, #tpu.memory_space<hbm>>
      tpu.enqueue_indirect_dma source(%dma_start3A_21 : memref<262144x128xf32, #tpu.memory_space<hbm>>) target(%arg11 : memref<256x128xf32, #tpu.memory_space<vmem>>) offsets(%dma_start3A : memref<256xi32, #tpu.memory_space<vmem>>) semaphore(%arg14 : memref<!tpu.dma_semaphore, #tpu.memory_space<semaphore_mem>>)
      %dma_start3A_22 = tpu.memref_slice %arg10[%mul3A_18] : memref<512xi32, #tpu.memory_space<vmem>> -> memref<256xi32, #tpu.memory_space<vmem>>
      %dma_start3A_23 = arith.constant 0 : i32
      %dma_start3A_24 = arith.constant 0 : i32
      %dma_start3A_25 = tpu.memref_slice %arg5[%dma_start3A_23, %dma_start3A_24] : memref<262144x128xf32, #tpu.memory_space<hbm>> -> memref<262144x128xf32, #tpu.memory_space<hbm>>
      tpu.enqueue_indirect_dma source(%dma_start3A_25 : memref<262144x128xf32, #tpu.memory_space<hbm>>) target(%arg12 : memref<256x128xf32, #tpu.memory_space<vmem>>) offsets(%dma_start3A_22 : memref<256xi32, #tpu.memory_space<vmem>>) semaphore(%arg15 : memref<!tpu.dma_semaphore, #tpu.memory_space<semaphore_mem>>)
      %dma_wait3A = tpu.memref_slice %arg9[%mul3A_18] : memref<512xi32, #tpu.memory_space<vmem>> -> memref<256xi32, #tpu.memory_space<vmem>>
      %dma_wait3A_26 = arith.constant 0 : i32
      %dma_wait3A_27 = arith.constant 0 : i32
      %dma_wait3A_28 = tpu.memref_slice %arg4[%dma_wait3A_26, %dma_wait3A_27] : memref<262144x128xf32, #tpu.memory_space<hbm>> -> memref<262144x128xf32, #tpu.memory_space<hbm>>
      tpu.wait_indirect_dma semaphore(%arg14 : memref<!tpu.dma_semaphore, #tpu.memory_space<semaphore_mem>>) src(%dma_wait3A_28 : memref<262144x128xf32, #tpu.memory_space<hbm>>) dst(%arg11 : memref<256x128xf32, #tpu.memory_space<vmem>>)
      %dma_wait3A_29 = tpu.memref_slice %arg10[%mul3A_18] : memref<512xi32, #tpu.memory_space<vmem>> -> memref<256xi32, #tpu.memory_space<vmem>>
      %dma_wait3A_30 = arith.constant 0 : i32
      %dma_wait3A_31 = arith.constant 0 : i32
      %dma_wait3A_32 = tpu.memref_slice %arg5[%dma_wait3A_30, %dma_wait3A_31] : memref<262144x128xf32, #tpu.memory_space<hbm>> -> memref<262144x128xf32, #tpu.memory_space<hbm>>
      tpu.wait_indirect_dma semaphore(%arg15 : memref<!tpu.dma_semaphore, #tpu.memory_space<semaphore_mem>>) src(%dma_wait3A_32 : memref<262144x128xf32, #tpu.memory_space<hbm>>) dst(%arg12 : memref<256x128xf32, #tpu.memory_space<vmem>>)
      %scan3A_33 = arith.constant 0 : i32
      %scan3A_34 = arith.constant 16 : i32
      %scan3A_35 = arith.addi %scan3A_33, %scan3A_34 : i32
      %scan3A_36 = arith.constant 1 : i32
      scf.for %scan3A_38 = %scan3A_33 to %scan3A_35 step %scan3A_36  : i32 {
        %mul3A_39 = arith.constant 16 : i32
        %mul3A_40 = arith.muli %scan3A_38, %mul3A_39 : i32
        %add3A_41 = arith.constant 0 : i32
        %add3A_42 = arith.addi %add3A_41, %mul3A_40 : i32
        %add3A_43 = arith.addi %mul3A_18, %add3A_42 : i32
        %get3A = arith.index_cast %add3A_43 : i32 to index
        %get3A_44 = tpu.vector_load %arg7[%get3A] {strides = array<i32>} : memref<512xi32, #tpu.memory_space<vmem>>, vector<16xi32>,
        %shift_right_logical3A = arith.constant 18 : i32
        %shift_right_logical3A_45 = vector.broadcast %shift_right_logical3A : i32 to vector<16xi32>
        %shift_right_logical3A_46 = arith.shrui %get3A_44, %shift_right_logical3A_45 : vector<16xi32>
        %mul3A_47 = arith.constant 32 : i32
        %mul3A_48 = vector.broadcast %mul3A_47 : i32 to vector<16xi32>
        %mul3A_49 = arith.muli %shift_right_logical3A_46, %mul3A_48 : vector<16xi32>
        %add3A_50 = arith.addi %mul3A_18, %add3A_42 : i32
        %get3A_51 = arith.index_cast %add3A_50 : i32 to index
        %get3A_52 = tpu.vector_load %arg8[%get3A_51] {strides = array<i32>} : memref<512xi32, #tpu.memory_space<vmem>>, vector<16xi32>,
        %shift_right_logical3A_53 = arith.constant 18 : i32
        %shift_right_logical3A_54 = vector.broadcast %shift_right_logical3A_53 : i32 to vector<16xi32>
        %shift_right_logical3A_55 = arith.shrui %get3A_52, %shift_right_logical3A_54 : vector<16xi32>
        %mul3A_56 = arith.constant 32 : i32
        %mul3A_57 = vector.broadcast %mul3A_56 : i32 to vector<16xi32>
        %mul3A_58 = arith.muli %shift_right_logical3A_55, %mul3A_57 : vector<16xi32>
        %add3A_59 = vector.broadcast %add3A_42 : i32 to vector<16xi32>
        %add3A_60 = arith.addi %add3A_59, %iota3A : vector<16xi32>
        %broadcast_in_dim3A = arith.constant 0.000000e+00 : f32
        %broadcast_in_dim3A_61 = vector.broadcast %broadcast_in_dim3A : f32 to vector<16xf32>
        %add3A_62 = arith.constant 0 : i32
        %add3A_63 = vector.broadcast %add3A_62 : i32 to vector<16xi32>
        %add3A_64 = arith.addi %iota3A, %add3A_63 : vector<16xi32>
        %and3A = arith.constant 31 : i32
        %and3A_65 = vector.broadcast %and3A : i32 to vector<16xi32>
        %and3A_66 = arith.andi %add3A_64, %and3A_65 : vector<16xi32>
        %add3A_67 = arith.addi %mul3A_49, %and3A_66 : vector<16xi32>
        %gather3A = tpu.vector_load_idx %arg11[%add3A_60, %add3A_67] : memref<256x128xf32, #tpu.memory_space<vmem>>[vector<16xi32>, vector<16xi32>], vector<16xf32>,
        %add3A_68 = arith.addi %mul3A_58, %and3A_66 : vector<16xi32>
        %gather3A_69 = tpu.vector_load_idx %arg12[%add3A_60, %add3A_68] : memref<256x128xf32, #tpu.memory_space<vmem>>[vector<16xi32>, vector<16xi32>], vector<16xf32>,
        %mul3A_70 = arith.mulf %gather3A, %gather3A_69 : vector<16xf32>
        %add3A_71 = arith.addf %broadcast_in_dim3A_61, %mul3A_70 : vector<16xf32>
        %add3A_72 = arith.constant 1 : i32
        %add3A_73 = vector.broadcast %add3A_72 : i32 to vector<16xi32>
        %add3A_74 = arith.addi %iota3A, %add3A_73 : vector<16xi32>
        %and3A_75 = arith.constant 31 : i32
        %and3A_76 = vector.broadcast %and3A_75 : i32 to vector<16xi32>
        %and3A_77 = arith.andi %add3A_74, %and3A_76 : vector<16xi32>
        %add3A_78 = arith.addi %mul3A_49, %and3A_77 : vector<16xi32>
        %gather3A_79 = tpu.vector_load_idx %arg11[%add3A_60, %add3A_78] : memref<256x128xf32, #tpu.memory_space<vmem>>[vector<16xi32>, vector<16xi32>], vector<16xf32>,
        %add3A_80 = arith.addi %mul3A_58, %and3A_77 : vector<16xi32>
        %gather3A_81 = tpu.vector_load_idx %arg12[%add3A_60, %add3A_80] : memref<256x128xf32, #tpu.memory_space<vmem>>[vector<16xi32>, vector<16xi32>], vector<16xf32>,
        %mul3A_82 = arith.mulf %gather3A_79, %gather3A_81 : vector<16xf32>
        %add3A_83 = arith.addf %add3A_71, %mul3A_82 : vector<16xf32>
        %add3A_84 = arith.constant 2 : i32
        %add3A_85 = vector.broadcast %add3A_84 : i32 to vector<16xi32>
        %add3A_86 = arith.addi %iota3A, %add3A_85 : vector<16xi32>
        %and3A_87 = arith.constant 31 : i32
        %and3A_88 = vector.broadcast %and3A_87 : i32 to vector<16xi32>
        %and3A_89 = arith.andi %add3A_86, %and3A_88 : vector<16xi32>
        %add3A_90 = arith.addi %mul3A_49, %and3A_89 : vector<16xi32>
        %gather3A_91 = tpu.vector_load_idx %arg11[%add3A_60, %add3A_90] : memref<256x128xf32, #tpu.memory_space<vmem>>[vector<16xi32>, vector<16xi32>], vector<16xf32>,
        %add3A_92 = arith.addi %mul3A_58, %and3A_89 : vector<16xi32>
        %gather3A_93 = tpu.vector_load_idx %arg12[%add3A_60, %add3A_92] : memref<256x128xf32, #tpu.memory_space<vmem>>[vector<16xi32>, vector<16xi32>], vector<16xf32>,
        %mul3A_94 = arith.mulf %gather3A_91, %gather3A_93 : vector<16xf32>
        %add3A_95 = arith.addf %add3A_83, %mul3A_94 : vector<16xf32>
        %add3A_96 = arith.constant 3 : i32
        %add3A_97 = vector.broadcast %add3A_96 : i32 to vector<16xi32>
        %add3A_98 = arith.addi %iota3A, %add3A_97 : vector<16xi32>
        %and3A_99 = arith.constant 31 : i32
        %and3A_100 = vector.broadcast %and3A_99 : i32 to vector<16xi32>
        %and3A_101 = arith.andi %add3A_98, %and3A_100 : vector<16xi32>
        %add3A_102 = arith.addi %mul3A_49, %and3A_101 : vector<16xi32>
        %gather3A_103 = tpu.vector_load_idx %arg11[%add3A_60, %add3A_102] : memref<256x128xf32, #tpu.memory_space<vmem>>[vector<16xi32>, vector<16xi32>], vector<16xf32>,
        %add3A_104 = arith.addi %mul3A_58, %and3A_101 : vector<16xi32>
        %gather3A_105 = tpu.vector_load_idx %arg12[%add3A_60, %add3A_104] : memref<256x128xf32, #tpu.memory_space<vmem>>[vector<16xi32>, vector<16xi32>], vector<16xf32>,
        %mul3A_106 = arith.mulf %gather3A_103, %gather3A_105 : vector<16xf32>
        %add3A_107 = arith.addf %add3A_95, %mul3A_106 : vector<16xf32>
        %add3A_108 = arith.constant 4 : i32
        %add3A_109 = vector.broadcast %add3A_108 : i32 to vector<16xi32>
        %add3A_110 = arith.addi %iota3A, %add3A_109 : vector<16xi32>
        %and3A_111 = arith.constant 31 : i32
        %and3A_112 = vector.broadcast %and3A_111 : i32 to vector<16xi32>
        %and3A_113 = arith.andi %add3A_110, %and3A_112 : vector<16xi32>
        %add3A_114 = arith.addi %mul3A_49, %and3A_113 : vector<16xi32>
        %gather3A_115 = tpu.vector_load_idx %arg11[%add3A_60, %add3A_114] : memref<256x128xf32, #tpu.memory_space<vmem>>[vector<16xi32>, vector<16xi32>], vector<16xf32>,
        %add3A_116 = arith.addi %mul3A_58, %and3A_113 : vector<16xi32>
        %gather3A_117 = tpu.vector_load_idx %arg12[%add3A_60, %add3A_116] : memref<256x128xf32, #tpu.memory_space<vmem>>[vector<16xi32>, vector<16xi32>], vector<16xf32>,
        %mul3A_118 = arith.mulf %gather3A_115, %gather3A_117 : vector<16xf32>
        %add3A_119 = arith.addf %add3A_107, %mul3A_118 : vector<16xf32>
        %add3A_120 = arith.constant 5 : i32
        %add3A_121 = vector.broadcast %add3A_120 : i32 to vector<16xi32>
        %add3A_122 = arith.addi %iota3A, %add3A_121 : vector<16xi32>
        %and3A_123 = arith.constant 31 : i32
        %and3A_124 = vector.broadcast %and3A_123 : i32 to vector<16xi32>
        %and3A_125 = arith.andi %add3A_122, %and3A_124 : vector<16xi32>
        %add3A_126 = arith.addi %mul3A_49, %and3A_125 : vector<16xi32>
        %gather3A_127 = tpu.vector_load_idx %arg11[%add3A_60, %add3A_126] : memref<256x128xf32, #tpu.memory_space<vmem>>[vector<16xi32>, vector<16xi32>], vector<16xf32>,
        %add3A_128 = arith.addi %mul3A_58, %and3A_125 : vector<16xi32>
        %gather3A_129 = tpu.vector_load_idx %arg12[%add3A_60, %add3A_128] : memref<256x128xf32, #tpu.memory_space<vmem>>[vector<16xi32>, vector<16xi32>], vector<16xf32>,
        %mul3A_130 = arith.mulf %gather3A_127, %gather3A_129 : vector<16xf32>
        %add3A_131 = arith.addf %add3A_119, %mul3A_130 : vector<16xf32>
        %add3A_132 = arith.constant 6 : i32
        %add3A_133 = vector.broadcast %add3A_132 : i32 to vector<16xi32>
        %add3A_134 = arith.addi %iota3A, %add3A_133 : vector<16xi32>
        %and3A_135 = arith.constant 31 : i32
        %and3A_136 = vector.broadcast %and3A_135 : i32 to vector<16xi32>
        %and3A_137 = arith.andi %add3A_134, %and3A_136 : vector<16xi32>
        %add3A_138 = arith.addi %mul3A_49, %and3A_137 : vector<16xi32>
        %gather3A_139 = tpu.vector_load_idx %arg11[%add3A_60, %add3A_138] : memref<256x128xf32, #tpu.memory_space<vmem>>[vector<16xi32>, vector<16xi32>], vector<16xf32>,
        %add3A_140 = arith.addi %mul3A_58, %and3A_137 : vector<16xi32>
        %gather3A_141 = tpu.vector_load_idx %arg12[%add3A_60, %add3A_140] : memref<256x128xf32, #tpu.memory_space<vmem>>[vector<16xi32>, vector<16xi32>], vector<16xf32>,
        %mul3A_142 = arith.mulf %gather3A_139, %gather3A_141 : vector<16xf32>
        %add3A_143 = arith.addf %add3A_131, %mul3A_142 : vector<16xf32>
        %add3A_144 = arith.constant 7 : i32
        %add3A_145 = vector.broadcast %add3A_144 : i32 to vector<16xi32>
        %add3A_146 = arith.addi %iota3A, %add3A_145 : vector<16xi32>
        %and3A_147 = arith.constant 31 : i32
        %and3A_148 = vector.broadcast %and3A_147 : i32 to vector<16xi32>
        %and3A_149 = arith.andi %add3A_146, %and3A_148 : vector<16xi32>
        %add3A_150 = arith.addi %mul3A_49, %and3A_149 : vector<16xi32>
        %gather3A_151 = tpu.vector_load_idx %arg11[%add3A_60, %add3A_150] : memref<256x128xf32, #tpu.memory_space<vmem>>[vector<16xi32>, vector<16xi32>], vector<16xf32>,
        %add3A_152 = arith.addi %mul3A_58, %and3A_149 : vector<16xi32>
        %gather3A_153 = tpu.vector_load_idx %arg12[%add3A_60, %add3A_152] : memref<256x128xf32, #tpu.memory_space<vmem>>[vector<16xi32>, vector<16xi32>], vector<16xf32>,
        %mul3A_154 = arith.mulf %gather3A_151, %gather3A_153 : vector<16xf32>
        %add3A_155 = arith.addf %add3A_143, %mul3A_154 : vector<16xf32>
        %add3A_156 = arith.constant 8 : i32
        %add3A_157 = vector.broadcast %add3A_156 : i32 to vector<16xi32>
        %add3A_158 = arith.addi %iota3A, %add3A_157 : vector<16xi32>
        %and3A_159 = arith.constant 31 : i32
        %and3A_160 = vector.broadcast %and3A_159 : i32 to vector<16xi32>
        %and3A_161 = arith.andi %add3A_158, %and3A_160 : vector<16xi32>
        %add3A_162 = arith.addi %mul3A_49, %and3A_161 : vector<16xi32>
        %gather3A_163 = tpu.vector_load_idx %arg11[%add3A_60, %add3A_162] : memref<256x128xf32, #tpu.memory_space<vmem>>[vector<16xi32>, vector<16xi32>], vector<16xf32>,
        %add3A_164 = arith.addi %mul3A_58, %and3A_161 : vector<16xi32>
        %gather3A_165 = tpu.vector_load_idx %arg12[%add3A_60, %add3A_164] : memref<256x128xf32, #tpu.memory_space<vmem>>[vector<16xi32>, vector<16xi32>], vector<16xf32>,
        %mul3A_166 = arith.mulf %gather3A_163, %gather3A_165 : vector<16xf32>
        %add3A_167 = arith.addf %add3A_155, %mul3A_166 : vector<16xf32>
        %add3A_168 = arith.constant 9 : i32
        %add3A_169 = vector.broadcast %add3A_168 : i32 to vector<16xi32>
        %add3A_170 = arith.addi %iota3A, %add3A_169 : vector<16xi32>
        %and3A_171 = arith.constant 31 : i32
        %and3A_172 = vector.broadcast %and3A_171 : i32 to vector<16xi32>
        %and3A_173 = arith.andi %add3A_170, %and3A_172 : vector<16xi32>
        %add3A_174 = arith.addi %mul3A_49, %and3A_173 : vector<16xi32>
        %gather3A_175 = tpu.vector_load_idx %arg11[%add3A_60, %add3A_174] : memref<256x128xf32, #tpu.memory_space<vmem>>[vector<16xi32>, vector<16xi32>], vector<16xf32>,
        %add3A_176 = arith.addi %mul3A_58, %and3A_173 : vector<16xi32>
        %gather3A_177 = tpu.vector_load_idx %arg12[%add3A_60, %add3A_176] : memref<256x128xf32, #tpu.memory_space<vmem>>[vector<16xi32>, vector<16xi32>], vector<16xf32>,
        %mul3A_178 = arith.mulf %gather3A_175, %gather3A_177 : vector<16xf32>
        %add3A_179 = arith.addf %add3A_167, %mul3A_178 : vector<16xf32>
        %add3A_180 = arith.constant 10 : i32
        %add3A_181 = vector.broadcast %add3A_180 : i32 to vector<16xi32>
        %add3A_182 = arith.addi %iota3A, %add3A_181 : vector<16xi32>
        %and3A_183 = arith.constant 31 : i32
        %and3A_184 = vector.broadcast %and3A_183 : i32 to vector<16xi32>
        %and3A_185 = arith.andi %add3A_182, %and3A_184 : vector<16xi32>
        %add3A_186 = arith.addi %mul3A_49, %and3A_185 : vector<16xi32>
        %gather3A_187 = tpu.vector_load_idx %arg11[%add3A_60, %add3A_186] : memref<256x128xf32, #tpu.memory_space<vmem>>[vector<16xi32>, vector<16xi32>], vector<16xf32>,
        %add3A_188 = arith.addi %mul3A_58, %and3A_185 : vector<16xi32>
        %gather3A_189 = tpu.vector_load_idx %arg12[%add3A_60, %add3A_188] : memref<256x128xf32, #tpu.memory_space<vmem>>[vector<16xi32>, vector<16xi32>], vector<16xf32>,
        %mul3A_190 = arith.mulf %gather3A_187, %gather3A_189 : vector<16xf32>
        %add3A_191 = arith.addf %add3A_179, %mul3A_190 : vector<16xf32>
        %add3A_192 = arith.constant 11 : i32
        %add3A_193 = vector.broadcast %add3A_192 : i32 to vector<16xi32>
        %add3A_194 = arith.addi %iota3A, %add3A_193 : vector<16xi32>
        %and3A_195 = arith.constant 31 : i32
        %and3A_196 = vector.broadcast %and3A_195 : i32 to vector<16xi32>
        %and3A_197 = arith.andi %add3A_194, %and3A_196 : vector<16xi32>
        %add3A_198 = arith.addi %mul3A_49, %and3A_197 : vector<16xi32>
        %gather3A_199 = tpu.vector_load_idx %arg11[%add3A_60, %add3A_198] : memref<256x128xf32, #tpu.memory_space<vmem>>[vector<16xi32>, vector<16xi32>], vector<16xf32>,
        %add3A_200 = arith.addi %mul3A_58, %and3A_197 : vector<16xi32>
        %gather3A_201 = tpu.vector_load_idx %arg12[%add3A_60, %add3A_200] : memref<256x128xf32, #tpu.memory_space<vmem>>[vector<16xi32>, vector<16xi32>], vector<16xf32>,
        %mul3A_202 = arith.mulf %gather3A_199, %gather3A_201 : vector<16xf32>
        %add3A_203 = arith.addf %add3A_191, %mul3A_202 : vector<16xf32>
        %add3A_204 = arith.constant 12 : i32
        %add3A_205 = vector.broadcast %add3A_204 : i32 to vector<16xi32>
        %add3A_206 = arith.addi %iota3A, %add3A_205 : vector<16xi32>
        %and3A_207 = arith.constant 31 : i32
        %and3A_208 = vector.broadcast %and3A_207 : i32 to vector<16xi32>
        %and3A_209 = arith.andi %add3A_206, %and3A_208 : vector<16xi32>
        %add3A_210 = arith.addi %mul3A_49, %and3A_209 : vector<16xi32>
        %gather3A_211 = tpu.vector_load_idx %arg11[%add3A_60, %add3A_210] : memref<256x128xf32, #tpu.memory_space<vmem>>[vector<16xi32>, vector<16xi32>], vector<16xf32>,
        %add3A_212 = arith.addi %mul3A_58, %and3A_209 : vector<16xi32>
        %gather3A_213 = tpu.vector_load_idx %arg12[%add3A_60, %add3A_212] : memref<256x128xf32, #tpu.memory_space<vmem>>[vector<16xi32>, vector<16xi32>], vector<16xf32>,
        %mul3A_214 = arith.mulf %gather3A_211, %gather3A_213 : vector<16xf32>
        %add3A_215 = arith.addf %add3A_203, %mul3A_214 : vector<16xf32>
        %add3A_216 = arith.constant 13 : i32
        %add3A_217 = vector.broadcast %add3A_216 : i32 to vector<16xi32>
        %add3A_218 = arith.addi %iota3A, %add3A_217 : vector<16xi32>
        %and3A_219 = arith.constant 31 : i32
        %and3A_220 = vector.broadcast %and3A_219 : i32 to vector<16xi32>
        %and3A_221 = arith.andi %add3A_218, %and3A_220 : vector<16xi32>
        %add3A_222 = arith.addi %mul3A_49, %and3A_221 : vector<16xi32>
        %gather3A_223 = tpu.vector_load_idx %arg11[%add3A_60, %add3A_222] : memref<256x128xf32, #tpu.memory_space<vmem>>[vector<16xi32>, vector<16xi32>], vector<16xf32>,
        %add3A_224 = arith.addi %mul3A_58, %and3A_221 : vector<16xi32>
        %gather3A_225 = tpu.vector_load_idx %arg12[%add3A_60, %add3A_224] : memref<256x128xf32, #tpu.memory_space<vmem>>[vector<16xi32>, vector<16xi32>], vector<16xf32>,
        %mul3A_226 = arith.mulf %gather3A_223, %gather3A_225 : vector<16xf32>
        %add3A_227 = arith.addf %add3A_215, %mul3A_226 : vector<16xf32>
        %add3A_228 = arith.constant 14 : i32
        %add3A_229 = vector.broadcast %add3A_228 : i32 to vector<16xi32>
        %add3A_230 = arith.addi %iota3A, %add3A_229 : vector<16xi32>
        %and3A_231 = arith.constant 31 : i32
        %and3A_232 = vector.broadcast %and3A_231 : i32 to vector<16xi32>
        %and3A_233 = arith.andi %add3A_230, %and3A_232 : vector<16xi32>
        %add3A_234 = arith.addi %mul3A_49, %and3A_233 : vector<16xi32>
        %gather3A_235 = tpu.vector_load_idx %arg11[%add3A_60, %add3A_234] : memref<256x128xf32, #tpu.memory_space<vmem>>[vector<16xi32>, vector<16xi32>], vector<16xf32>,
        %add3A_236 = arith.addi %mul3A_58, %and3A_233 : vector<16xi32>
        %gather3A_237 = tpu.vector_load_idx %arg12[%add3A_60, %add3A_236] : memref<256x128xf32, #tpu.memory_space<vmem>>[vector<16xi32>, vector<16xi32>], vector<16xf32>,
        %mul3A_238 = arith.mulf %gather3A_235, %gather3A_237 : vector<16xf32>
        %add3A_239 = arith.addf %add3A_227, %mul3A_238 : vector<16xf32>
        %add3A_240 = arith.constant 15 : i32
        %add3A_241 = vector.broadcast %add3A_240 : i32 to vector<16xi32>
        %add3A_242 = arith.addi %iota3A, %add3A_241 : vector<16xi32>
        %and3A_243 = arith.constant 31 : i32
        %and3A_244 = vector.broadcast %and3A_243 : i32 to vector<16xi32>
        %and3A_245 = arith.andi %add3A_242, %and3A_244 : vector<16xi32>
        %add3A_246 = arith.addi %mul3A_49, %and3A_245 : vector<16xi32>
        %gather3A_247 = tpu.vector_load_idx %arg11[%add3A_60, %add3A_246] : memref<256x128xf32, #tpu.memory_space<vmem>>[vector<16xi32>, vector<16xi32>], vector<16xf32>,
        %add3A_248 = arith.addi %mul3A_58, %and3A_245 : vector<16xi32>
        %gather3A_249 = tpu.vector_load_idx %arg12[%add3A_60, %add3A_248] : memref<256x128xf32, #tpu.memory_space<vmem>>[vector<16xi32>, vector<16xi32>], vector<16xf32>,
        %mul3A_250 = arith.mulf %gather3A_247, %gather3A_249 : vector<16xf32>
        %add3A_251 = arith.addf %add3A_239, %mul3A_250 : vector<16xf32>
        %add3A_252 = arith.constant 16 : i32
        %add3A_253 = vector.broadcast %add3A_252 : i32 to vector<16xi32>
        %add3A_254 = arith.addi %iota3A, %add3A_253 : vector<16xi32>
        %and3A_255 = arith.constant 31 : i32
        %and3A_256 = vector.broadcast %and3A_255 : i32 to vector<16xi32>
        %and3A_257 = arith.andi %add3A_254, %and3A_256 : vector<16xi32>
        %add3A_258 = arith.addi %mul3A_49, %and3A_257 : vector<16xi32>
        %gather3A_259 = tpu.vector_load_idx %arg11[%add3A_60, %add3A_258] : memref<256x128xf32, #tpu.memory_space<vmem>>[vector<16xi32>, vector<16xi32>], vector<16xf32>,
        %add3A_260 = arith.addi %mul3A_58, %and3A_257 : vector<16xi32>
        %gather3A_261 = tpu.vector_load_idx %arg12[%add3A_60, %add3A_260] : memref<256x128xf32, #tpu.memory_space<vmem>>[vector<16xi32>, vector<16xi32>], vector<16xf32>,
        %mul3A_262 = arith.mulf %gather3A_259, %gather3A_261 : vector<16xf32>
        %add3A_263 = arith.addf %add3A_251, %mul3A_262 : vector<16xf32>
        %add3A_264 = arith.constant 17 : i32
        %add3A_265 = vector.broadcast %add3A_264 : i32 to vector<16xi32>
        %add3A_266 = arith.addi %iota3A, %add3A_265 : vector<16xi32>
        %and3A_267 = arith.constant 31 : i32
        %and3A_268 = vector.broadcast %and3A_267 : i32 to vector<16xi32>
        %and3A_269 = arith.andi %add3A_266, %and3A_268 : vector<16xi32>
        %add3A_270 = arith.addi %mul3A_49, %and3A_269 : vector<16xi32>
        %gather3A_271 = tpu.vector_load_idx %arg11[%add3A_60, %add3A_270] : memref<256x128xf32, #tpu.memory_space<vmem>>[vector<16xi32>, vector<16xi32>], vector<16xf32>,
        %add3A_272 = arith.addi %mul3A_58, %and3A_269 : vector<16xi32>
        %gather3A_273 = tpu.vector_load_idx %arg12[%add3A_60, %add3A_272] : memref<256x128xf32, #tpu.memory_space<vmem>>[vector<16xi32>, vector<16xi32>], vector<16xf32>,
        %mul3A_274 = arith.mulf %gather3A_271, %gather3A_273 : vector<16xf32>
        %add3A_275 = arith.addf %add3A_263, %mul3A_274 : vector<16xf32>
        %add3A_276 = arith.constant 18 : i32
        %add3A_277 = vector.broadcast %add3A_276 : i32 to vector<16xi32>
        %add3A_278 = arith.addi %iota3A, %add3A_277 : vector<16xi32>
        %and3A_279 = arith.constant 31 : i32
        %and3A_280 = vector.broadcast %and3A_279 : i32 to vector<16xi32>
        %and3A_281 = arith.andi %add3A_278, %and3A_280 : vector<16xi32>
        %add3A_282 = arith.addi %mul3A_49, %and3A_281 : vector<16xi32>
        %gather3A_283 = tpu.vector_load_idx %arg11[%add3A_60, %add3A_282] : memref<256x128xf32, #tpu.memory_space<vmem>>[vector<16xi32>, vector<16xi32>], vector<16xf32>,
        %add3A_284 = arith.addi %mul3A_58, %and3A_281 : vector<16xi32>
        %gather3A_285 = tpu.vector_load_idx %arg12[%add3A_60, %add3A_284] : memref<256x128xf32, #tpu.memory_space<vmem>>[vector<16xi32>, vector<16xi32>], vector<16xf32>,
        %mul3A_286 = arith.mulf %gather3A_283, %gather3A_285 : vector<16xf32>
        %add3A_287 = arith.addf %add3A_275, %mul3A_286 : vector<16xf32>
        %add3A_288 = arith.constant 19 : i32
        %add3A_289 = vector.broadcast %add3A_288 : i32 to vector<16xi32>
        %add3A_290 = arith.addi %iota3A, %add3A_289 : vector<16xi32>
        %and3A_291 = arith.constant 31 : i32
        %and3A_292 = vector.broadcast %and3A_291 : i32 to vector<16xi32>
        %and3A_293 = arith.andi %add3A_290, %and3A_292 : vector<16xi32>
        %add3A_294 = arith.addi %mul3A_49, %and3A_293 : vector<16xi32>
        %gather3A_295 = tpu.vector_load_idx %arg11[%add3A_60, %add3A_294] : memref<256x128xf32, #tpu.memory_space<vmem>>[vector<16xi32>, vector<16xi32>], vector<16xf32>,
        %add3A_296 = arith.addi %mul3A_58, %and3A_293 : vector<16xi32>
        %gather3A_297 = tpu.vector_load_idx %arg12[%add3A_60, %add3A_296] : memref<256x128xf32, #tpu.memory_space<vmem>>[vector<16xi32>, vector<16xi32>], vector<16xf32>,
        %mul3A_298 = arith.mulf %gather3A_295, %gather3A_297 : vector<16xf32>
        %add3A_299 = arith.addf %add3A_287, %mul3A_298 : vector<16xf32>
        %add3A_300 = arith.constant 20 : i32
        %add3A_301 = vector.broadcast %add3A_300 : i32 to vector<16xi32>
        %add3A_302 = arith.addi %iota3A, %add3A_301 : vector<16xi32>
        %and3A_303 = arith.constant 31 : i32
        %and3A_304 = vector.broadcast %and3A_303 : i32 to vector<16xi32>
        %and3A_305 = arith.andi %add3A_302, %and3A_304 : vector<16xi32>
        %add3A_306 = arith.addi %mul3A_49, %and3A_305 : vector<16xi32>
        %gather3A_307 = tpu.vector_load_idx %arg11[%add3A_60, %add3A_306] : memref<256x128xf32, #tpu.memory_space<vmem>>[vector<16xi32>, vector<16xi32>], vector<16xf32>,
        %add3A_308 = arith.addi %mul3A_58, %and3A_305 : vector<16xi32>
        %gather3A_309 = tpu.vector_load_idx %arg12[%add3A_60, %add3A_308] : memref<256x128xf32, #tpu.memory_space<vmem>>[vector<16xi32>, vector<16xi32>], vector<16xf32>,
        %mul3A_310 = arith.mulf %gather3A_307, %gather3A_309 : vector<16xf32>
        %add3A_311 = arith.addf %add3A_299, %mul3A_310 : vector<16xf32>
        %add3A_312 = arith.constant 21 : i32
        %add3A_313 = vector.broadcast %add3A_312 : i32 to vector<16xi32>
        %add3A_314 = arith.addi %iota3A, %add3A_313 : vector<16xi32>
        %and3A_315 = arith.constant 31 : i32
        %and3A_316 = vector.broadcast %and3A_315 : i32 to vector<16xi32>
        %and3A_317 = arith.andi %add3A_314, %and3A_316 : vector<16xi32>
        %add3A_318 = arith.addi %mul3A_49, %and3A_317 : vector<16xi32>
        %gather3A_319 = tpu.vector_load_idx %arg11[%add3A_60, %add3A_318] : memref<256x128xf32, #tpu.memory_space<vmem>>[vector<16xi32>, vector<16xi32>], vector<16xf32>,
        %add3A_320 = arith.addi %mul3A_58, %and3A_317 : vector<16xi32>
        %gather3A_321 = tpu.vector_load_idx %arg12[%add3A_60, %add3A_320] : memref<256x128xf32, #tpu.memory_space<vmem>>[vector<16xi32>, vector<16xi32>], vector<16xf32>,
        %mul3A_322 = arith.mulf %gather3A_319, %gather3A_321 : vector<16xf32>
        %add3A_323 = arith.addf %add3A_311, %mul3A_322 : vector<16xf32>
        %add3A_324 = arith.constant 22 : i32
        %add3A_325 = vector.broadcast %add3A_324 : i32 to vector<16xi32>
        %add3A_326 = arith.addi %iota3A, %add3A_325 : vector<16xi32>
        %and3A_327 = arith.constant 31 : i32
        %and3A_328 = vector.broadcast %and3A_327 : i32 to vector<16xi32>
        %and3A_329 = arith.andi %add3A_326, %and3A_328 : vector<16xi32>
        %add3A_330 = arith.addi %mul3A_49, %and3A_329 : vector<16xi32>
        %gather3A_331 = tpu.vector_load_idx %arg11[%add3A_60, %add3A_330] : memref<256x128xf32, #tpu.memory_space<vmem>>[vector<16xi32>, vector<16xi32>], vector<16xf32>,
        %add3A_332 = arith.addi %mul3A_58, %and3A_329 : vector<16xi32>
        %gather3A_333 = tpu.vector_load_idx %arg12[%add3A_60, %add3A_332] : memref<256x128xf32, #tpu.memory_space<vmem>>[vector<16xi32>, vector<16xi32>], vector<16xf32>,
        %mul3A_334 = arith.mulf %gather3A_331, %gather3A_333 : vector<16xf32>
        %add3A_335 = arith.addf %add3A_323, %mul3A_334 : vector<16xf32>
        %add3A_336 = arith.constant 23 : i32
        %add3A_337 = vector.broadcast %add3A_336 : i32 to vector<16xi32>
        %add3A_338 = arith.addi %iota3A, %add3A_337 : vector<16xi32>
        %and3A_339 = arith.constant 31 : i32
        %and3A_340 = vector.broadcast %and3A_339 : i32 to vector<16xi32>
        %and3A_341 = arith.andi %add3A_338, %and3A_340 : vector<16xi32>
        %add3A_342 = arith.addi %mul3A_49, %and3A_341 : vector<16xi32>
        %gather3A_343 = tpu.vector_load_idx %arg11[%add3A_60, %add3A_342] : memref<256x128xf32, #tpu.memory_space<vmem>>[vector<16xi32>, vector<16xi32>], vector<16xf32>,
        %add3A_344 = arith.addi %mul3A_58, %and3A_341 : vector<16xi32>
        %gather3A_345 = tpu.vector_load_idx %arg12[%add3A_60, %add3A_344] : memref<256x128xf32, #tpu.memory_space<vmem>>[vector<16xi32>, vector<16xi32>], vector<16xf32>,
        %mul3A_346 = arith.mulf %gather3A_343, %gather3A_345 : vector<16xf32>
        %add3A_347 = arith.addf %add3A_335, %mul3A_346 : vector<16xf32>
        %add3A_348 = arith.constant 24 : i32
        %add3A_349 = vector.broadcast %add3A_348 : i32 to vector<16xi32>
        %add3A_350 = arith.addi %iota3A, %add3A_349 : vector<16xi32>
        %and3A_351 = arith.constant 31 : i32
        %and3A_352 = vector.broadcast %and3A_351 : i32 to vector<16xi32>
        %and3A_353 = arith.andi %add3A_350, %and3A_352 : vector<16xi32>
        %add3A_354 = arith.addi %mul3A_49, %and3A_353 : vector<16xi32>
        %gather3A_355 = tpu.vector_load_idx %arg11[%add3A_60, %add3A_354] : memref<256x128xf32, #tpu.memory_space<vmem>>[vector<16xi32>, vector<16xi32>], vector<16xf32>,
        %add3A_356 = arith.addi %mul3A_58, %and3A_353 : vector<16xi32>
        %gather3A_357 = tpu.vector_load_idx %arg12[%add3A_60, %add3A_356] : memref<256x128xf32, #tpu.memory_space<vmem>>[vector<16xi32>, vector<16xi32>], vector<16xf32>,
        %mul3A_358 = arith.mulf %gather3A_355, %gather3A_357 : vector<16xf32>
        %add3A_359 = arith.addf %add3A_347, %mul3A_358 : vector<16xf32>
        %add3A_360 = arith.constant 25 : i32
        %add3A_361 = vector.broadcast %add3A_360 : i32 to vector<16xi32>
        %add3A_362 = arith.addi %iota3A, %add3A_361 : vector<16xi32>
        %and3A_363 = arith.constant 31 : i32
        %and3A_364 = vector.broadcast %and3A_363 : i32 to vector<16xi32>
        %and3A_365 = arith.andi %add3A_362, %and3A_364 : vector<16xi32>
        %add3A_366 = arith.addi %mul3A_49, %and3A_365 : vector<16xi32>
        %gather3A_367 = tpu.vector_load_idx %arg11[%add3A_60, %add3A_366] : memref<256x128xf32, #tpu.memory_space<vmem>>[vector<16xi32>, vector<16xi32>], vector<16xf32>,
        %add3A_368 = arith.addi %mul3A_58, %and3A_365 : vector<16xi32>
        %gather3A_369 = tpu.vector_load_idx %arg12[%add3A_60, %add3A_368] : memref<256x128xf32, #tpu.memory_space<vmem>>[vector<16xi32>, vector<16xi32>], vector<16xf32>,
        %mul3A_370 = arith.mulf %gather3A_367, %gather3A_369 : vector<16xf32>
        %add3A_371 = arith.addf %add3A_359, %mul3A_370 : vector<16xf32>
        %add3A_372 = arith.constant 26 : i32
        %add3A_373 = vector.broadcast %add3A_372 : i32 to vector<16xi32>
        %add3A_374 = arith.addi %iota3A, %add3A_373 : vector<16xi32>
        %and3A_375 = arith.constant 31 : i32
        %and3A_376 = vector.broadcast %and3A_375 : i32 to vector<16xi32>
        %and3A_377 = arith.andi %add3A_374, %and3A_376 : vector<16xi32>
        %add3A_378 = arith.addi %mul3A_49, %and3A_377 : vector<16xi32>
        %gather3A_379 = tpu.vector_load_idx %arg11[%add3A_60, %add3A_378] : memref<256x128xf32, #tpu.memory_space<vmem>>[vector<16xi32>, vector<16xi32>], vector<16xf32>,
        %add3A_380 = arith.addi %mul3A_58, %and3A_377 : vector<16xi32>
        %gather3A_381 = tpu.vector_load_idx %arg12[%add3A_60, %add3A_380] : memref<256x128xf32, #tpu.memory_space<vmem>>[vector<16xi32>, vector<16xi32>], vector<16xf32>,
        %mul3A_382 = arith.mulf %gather3A_379, %gather3A_381 : vector<16xf32>
        %add3A_383 = arith.addf %add3A_371, %mul3A_382 : vector<16xf32>
        %add3A_384 = arith.constant 27 : i32
        %add3A_385 = vector.broadcast %add3A_384 : i32 to vector<16xi32>
        %add3A_386 = arith.addi %iota3A, %add3A_385 : vector<16xi32>
        %and3A_387 = arith.constant 31 : i32
        %and3A_388 = vector.broadcast %and3A_387 : i32 to vector<16xi32>
        %and3A_389 = arith.andi %add3A_386, %and3A_388 : vector<16xi32>
        %add3A_390 = arith.addi %mul3A_49, %and3A_389 : vector<16xi32>
        %gather3A_391 = tpu.vector_load_idx %arg11[%add3A_60, %add3A_390] : memref<256x128xf32, #tpu.memory_space<vmem>>[vector<16xi32>, vector<16xi32>], vector<16xf32>,
        %add3A_392 = arith.addi %mul3A_58, %and3A_389 : vector<16xi32>
        %gather3A_393 = tpu.vector_load_idx %arg12[%add3A_60, %add3A_392] : memref<256x128xf32, #tpu.memory_space<vmem>>[vector<16xi32>, vector<16xi32>], vector<16xf32>,
        %mul3A_394 = arith.mulf %gather3A_391, %gather3A_393 : vector<16xf32>
        %add3A_395 = arith.addf %add3A_383, %mul3A_394 : vector<16xf32>
        %add3A_396 = arith.constant 28 : i32
        %add3A_397 = vector.broadcast %add3A_396 : i32 to vector<16xi32>
        %add3A_398 = arith.addi %iota3A, %add3A_397 : vector<16xi32>
        %and3A_399 = arith.constant 31 : i32
        %and3A_400 = vector.broadcast %and3A_399 : i32 to vector<16xi32>
        %and3A_401 = arith.andi %add3A_398, %and3A_400 : vector<16xi32>
        %add3A_402 = arith.addi %mul3A_49, %and3A_401 : vector<16xi32>
        %gather3A_403 = tpu.vector_load_idx %arg11[%add3A_60, %add3A_402] : memref<256x128xf32, #tpu.memory_space<vmem>>[vector<16xi32>, vector<16xi32>], vector<16xf32>,
        %add3A_404 = arith.addi %mul3A_58, %and3A_401 : vector<16xi32>
        %gather3A_405 = tpu.vector_load_idx %arg12[%add3A_60, %add3A_404] : memref<256x128xf32, #tpu.memory_space<vmem>>[vector<16xi32>, vector<16xi32>], vector<16xf32>,
        %mul3A_406 = arith.mulf %gather3A_403, %gather3A_405 : vector<16xf32>
        %add3A_407 = arith.addf %add3A_395, %mul3A_406 : vector<16xf32>
        %add3A_408 = arith.constant 29 : i32
        %add3A_409 = vector.broadcast %add3A_408 : i32 to vector<16xi32>
        %add3A_410 = arith.addi %iota3A, %add3A_409 : vector<16xi32>
        %and3A_411 = arith.constant 31 : i32
        %and3A_412 = vector.broadcast %and3A_411 : i32 to vector<16xi32>
        %and3A_413 = arith.andi %add3A_410, %and3A_412 : vector<16xi32>
        %add3A_414 = arith.addi %mul3A_49, %and3A_413 : vector<16xi32>
        %gather3A_415 = tpu.vector_load_idx %arg11[%add3A_60, %add3A_414] : memref<256x128xf32, #tpu.memory_space<vmem>>[vector<16xi32>, vector<16xi32>], vector<16xf32>,
        %add3A_416 = arith.addi %mul3A_58, %and3A_413 : vector<16xi32>
        %gather3A_417 = tpu.vector_load_idx %arg12[%add3A_60, %add3A_416] : memref<256x128xf32, #tpu.memory_space<vmem>>[vector<16xi32>, vector<16xi32>], vector<16xf32>,
        %mul3A_418 = arith.mulf %gather3A_415, %gather3A_417 : vector<16xf32>
        %add3A_419 = arith.addf %add3A_407, %mul3A_418 : vector<16xf32>
        %add3A_420 = arith.constant 30 : i32
        %add3A_421 = vector.broadcast %add3A_420 : i32 to vector<16xi32>
        %add3A_422 = arith.addi %iota3A, %add3A_421 : vector<16xi32>
        %and3A_423 = arith.constant 31 : i32
        %and3A_424 = vector.broadcast %and3A_423 : i32 to vector<16xi32>
        %and3A_425 = arith.andi %add3A_422, %and3A_424 : vector<16xi32>
        %add3A_426 = arith.addi %mul3A_49, %and3A_425 : vector<16xi32>
        %gather3A_427 = tpu.vector_load_idx %arg11[%add3A_60, %add3A_426] : memref<256x128xf32, #tpu.memory_space<vmem>>[vector<16xi32>, vector<16xi32>], vector<16xf32>,
        %add3A_428 = arith.addi %mul3A_58, %and3A_425 : vector<16xi32>
        %gather3A_429 = tpu.vector_load_idx %arg12[%add3A_60, %add3A_428] : memref<256x128xf32, #tpu.memory_space<vmem>>[vector<16xi32>, vector<16xi32>], vector<16xf32>,
        %mul3A_430 = arith.mulf %gather3A_427, %gather3A_429 : vector<16xf32>
        %add3A_431 = arith.addf %add3A_419, %mul3A_430 : vector<16xf32>
        %add3A_432 = arith.constant 31 : i32
        %add3A_433 = vector.broadcast %add3A_432 : i32 to vector<16xi32>
        %add3A_434 = arith.addi %iota3A, %add3A_433 : vector<16xi32>
        %and3A_435 = arith.constant 31 : i32
        %and3A_436 = vector.broadcast %and3A_435 : i32 to vector<16xi32>
        %and3A_437 = arith.andi %add3A_434, %and3A_436 : vector<16xi32>
        %add3A_438 = arith.addi %mul3A_49, %and3A_437 : vector<16xi32>
        %gather3A_439 = tpu.vector_load_idx %arg11[%add3A_60, %add3A_438] : memref<256x128xf32, #tpu.memory_space<vmem>>[vector<16xi32>, vector<16xi32>], vector<16xf32>,
        %add3A_440 = arith.addi %mul3A_58, %and3A_437 : vector<16xi32>
        %gather3A_441 = tpu.vector_load_idx %arg12[%add3A_60, %add3A_440] : memref<256x128xf32, #tpu.memory_space<vmem>>[vector<16xi32>, vector<16xi32>], vector<16xf32>,
        %mul3A_442 = arith.mulf %gather3A_439, %gather3A_441 : vector<16xf32>
        %add3A_443 = arith.addf %add3A_431, %mul3A_442 : vector<16xf32>
        %neg3A = arith.constant 0.000000e+00 : f32
        %neg3A_444 = vector.broadcast %neg3A : f32 to vector<16xf32>
        %neg3A_445 = arith.subf %neg3A_444, %add3A_443 : vector<16xf32>
        %exp3A = math.exp %neg3A_445 : vector<16xf32>
        %add3A_446 = arith.constant 1.000000e+00 : f32
        %add3A_447 = vector.broadcast %add3A_446 : f32 to vector<16xf32>
        %add3A_448 = arith.addf %add3A_447, %exp3A : vector<16xf32>
        %div3A = arith.constant 1.000000e+00 : f32
        %div3A_449 = vector.broadcast %div3A : f32 to vector<16xf32>
        %div3A_450 = arith.divf %div3A_449, %add3A_448 : vector<16xf32>
        %add3A_451 = arith.addi %mul3A_18, %add3A_42 : i32
        %swap3A = arith.index_cast %add3A_451 : i32 to index
        %swap3A_452 = tpu.vector_load %arg13[%swap3A] {strides = array<i32>} : memref<512xf32, #tpu.memory_space<vmem>>, vector<16xf32>,
        tpu.vector_store %arg13[%swap3A], %div3A_450 {strides = array<i32>} : memref<512xf32, #tpu.memory_space<vmem>>, vector<16xf32>,
      }
      %scan3A_37 = arith.constant 16 : i32
    }
    %scan3A_11 = arith.constant 2 : i32
    "tpu.region"() ({
      %run_scoped3A = tpu.sem_alloc : memref<!tpu.dma_semaphore, #tpu.memory_space<semaphore_mem>>
      %dma_start3A = tpu.memref_slice %arg6[%mul3A_2] : memref<16384xf32, #tpu.memory_space<hbm>> -> memref<512xf32, #tpu.memory_space<hbm>>
      %dma_start3A_12 = tpu.memref_slice %arg6[%mul3A_2] : memref<16384xf32, #tpu.memory_space<hbm>> -> memref<512xf32, #tpu.memory_space<hbm>>
      tpu.enqueue_dma source(%arg13 : memref<512xf32, #tpu.memory_space<vmem>>) target(%dma_start3A_12 : memref<512xf32, #tpu.memory_space<hbm>>) target_semaphore(%run_scoped3A : memref<!tpu.dma_semaphore, #tpu.memory_space<semaphore_mem>>)
      %dma_wait3A = tpu.memref_slice %arg6[%mul3A_2] : memref<16384xf32, #tpu.memory_space<hbm>> -> memref<512xf32, #tpu.memory_space<hbm>>
      %dma_wait3A_13 = tpu.memref_slice %arg6[%mul3A_2] : memref<16384xf32, #tpu.memory_space<hbm>> -> memref<512xf32, #tpu.memory_space<hbm>>
      tpu.wait_dma2 semaphore(%run_scoped3A : memref<!tpu.dma_semaphore, #tpu.memory_space<semaphore_mem>>) src(%arg13 : memref<512xf32, #tpu.memory_space<vmem>>) dst(%dma_wait3A_13 : memref<512xf32, #tpu.memory_space<hbm>>)
      tpu.yield
    }) : () -> ()
    return
  }
}

module attributes {stable_mosaic.version = 14 : i64} {
  func.func @_tp_body(%arg0: i32, %arg1: memref<32x16384xf32, #tpu.memory_space<vmem>>, %arg2: memref<32x16384xf32, #tpu.memory_space<vmem>>, %arg3: memref<32x16384xf32, #tpu.memory_space<vmem>>, %arg4: memref<32x16384xf32, #tpu.memory_space<vmem>>, %arg5: memref<16384x128xf32, #tpu.memory_space<vmem>>) attributes {dimension_semantics = [#tpu.dimension_semantics<arbitrary>], iteration_bounds = array<i64: 16>, scalar_prefetch = 0 : i64, scratch_operands = 0 : i64, tpu.core_type = #tpu.core_type<tc>, window_params = [{transform_indices = @transform_0, window_bounds = array<i64: 32, 16384>}, {transform_indices = @transform_1, window_bounds = array<i64: 32, 16384>}, {transform_indices = @transform_2, window_bounds = array<i64: 32, 16384>}, {transform_indices = @transform_3, window_bounds = array<i64: 32, 16384>}, {transform_indices = @transform_4, window_bounds = array<i64: 16384, 128>}]} {
    %get3A = arith.constant 0 : index
    %get3A_0 = arith.constant 0 : index
    %get3A_1 = vector.load %arg1[%get3A, %get3A_0] : memref<32x16384xf32, #tpu.memory_space<vmem>>, vector<32x16384xf32>
    %get3A_2 = arith.constant 0 : index
    %get3A_3 = arith.constant 0 : index
    %get3A_4 = vector.load %arg2[%get3A_2, %get3A_3] : memref<32x16384xf32, #tpu.memory_space<vmem>>, vector<32x16384xf32>
    %get3A_5 = arith.constant 0 : index
    %get3A_6 = arith.constant 0 : index
    %get3A_7 = vector.load %arg3[%get3A_5, %get3A_6] : memref<32x16384xf32, #tpu.memory_space<vmem>>, vector<32x16384xf32>
    %get3A_8 = arith.constant 0 : index
    %get3A_9 = arith.constant 0 : index
    %get3A_10 = vector.load %arg4[%get3A_8, %get3A_9] : memref<32x16384xf32, #tpu.memory_space<vmem>>, vector<32x16384xf32>
    %concatenate3A = tpu.concatenate %get3A_1, %get3A_4, %get3A_7, %get3A_10 in 0 : vector<32x16384xf32>, vector<32x16384xf32>, vector<32x16384xf32>, vector<32x16384xf32> -> vector<128x16384xf32>
    %transpose3A = tpu.transpose %concatenate3A, [1, 0] : vector<128x16384xf32> -> vector<16384x128xf32>
    %swap3A = arith.constant 0 : index
    %swap3A_11 = arith.constant 0 : index
    %swap3A_12 = vector.load %arg5[%swap3A, %swap3A_11] : memref<16384x128xf32, #tpu.memory_space<vmem>>, vector<16384x128xf32>
    tpu.vector_store %arg5[%swap3A, %swap3A_11], %transpose3A {strides = array<i32>} : memref<16384x128xf32, #tpu.memory_space<vmem>>, vector<16384x128xf32>,
    return
  }
  func.func @transform_0(%arg0: i32) -> (i32, i32) {
    %add3A = arith.constant 0 : i32
    %add3A_0 = arith.addi %add3A, %arg0 : i32
    %min3A = arith.constant 61 : i32
    %min3A_1 = arith.minsi %add3A_0, %min3A : i32
    %c0_i32 = arith.constant 0 : i32
    %c0_i32_2 = arith.constant 0 : i32
    return %c0_i32, %min3A_1 : i32, i32
  }
  func.func @transform_1(%arg0: i32) -> (i32, i32) {
    %add3A = arith.constant 16 : i32
    %add3A_0 = arith.addi %add3A, %arg0 : i32
    %min3A = arith.constant 61 : i32
    %min3A_1 = arith.minsi %add3A_0, %min3A : i32
    %c0_i32 = arith.constant 0 : i32
    %c0_i32_2 = arith.constant 0 : i32
    return %c0_i32, %min3A_1 : i32, i32
  }
  func.func @transform_2(%arg0: i32) -> (i32, i32) {
    %add3A = arith.constant 32 : i32
    %add3A_0 = arith.addi %add3A, %arg0 : i32
    %min3A = arith.constant 61 : i32
    %min3A_1 = arith.minsi %add3A_0, %min3A : i32
    %c0_i32 = arith.constant 0 : i32
    %c0_i32_2 = arith.constant 0 : i32
    return %c0_i32, %min3A_1 : i32, i32
  }
  func.func @transform_3(%arg0: i32) -> (i32, i32) {
    %add3A = arith.constant 48 : i32
    %add3A_0 = arith.addi %add3A, %arg0 : i32
    %min3A = arith.constant 61 : i32
    %min3A_1 = arith.minsi %add3A_0, %min3A : i32
    %c0_i32 = arith.constant 0 : i32
    %c0_i32_2 = arith.constant 0 : i32
    return %c0_i32, %min3A_1 : i32, i32
  }
  func.func @transform_4(%arg0: i32) -> (i32, i32) {
    %c0_i32 = arith.constant 0 : i32
    %c0_i32_0 = arith.constant 0 : i32
    return %arg0, %c0_i32 : i32, i32
  }
}

</mosaic_0001>

<sc_bundles>
// kernel: kernel.5.cloned.1.call-start
scs
__scs_entry_jumppad:
0x0: {  	(pc) =	sbr.rel $0x88, $3  }
0x1: {  	(tag) =	ssettag $0x0;
	lr =	simm.s32 $0x1  }
0x2: {  	[smem:$0x3F9D] =	sst lr;
	_ =	strace $0xD0000000  }
0x3: {  	_ = 	snop  }
0x4: {  	_ = 	snop  }
0x5: {  	_ = 	snop  }
0x6: {  	_ = 	snop  }
0x7: {  	_ = 	snop  }
__scs_overlays_trampoline_lowered:
0x8: {  	[smem:$0x3FAC] =	sst s0  }
0x9: {  	[smem:$0x3FAD] =	sst s1  }
0xa: {  	[smem:$0x3FAE] =	sst s2  }
0xb: {  	[smem:$0x3FAF] =	sst s3  }
0xc: {  	[smem:$0x3FB0] =	sst s4  }
0xd: {  	[smem:$0x3FB1] =	sst s5  }
0xe: {  	[smem:$0x3FB2] =	sst s6  }
0xf: {  	[smem:$0x3FB3] =	sst s7  }
0x10: {  	[smem:$0x3FB4] =	sst s8  }
0x11: {  	[smem:$0x3FB5] =	sst s9;
	s0 =	simm.s32 @!p0 $0x0  }
0x12: {  	s1 =	sld [smem:$0x3F9B];
	s0 =	simm.s32 @p0 $0x1  }
0x13: {  	[smem:$0x3FB6] =	sst s0;
	s0 =	simm.s32 @!p1 $0x0  }
0x14: {  	s2 =	sld [smem:$0x3F9A];
	s0 =	simm.s32 @p1 $0x1  }
0x15: {  	[smem:$0x3FB7] =	sst s0;
	s0 =	simm.s32 @!p2 $0x0  }
0x16: {  	s3 =	sld [smem:$0x3FDB];
	s0 =	simm.s32 @p2 $0x1  }
0x17: {  	s4 =	simm.s32 $0x1BF5;
	[smem:$0x3FB9] =	sst s0  }
0x18: {  	s0 =	sld [smem:$0x3F9C];
	_ =	swait.ge [sflag:s4], $0x0  }
0x19: {  	s7 =	sld [smem:$0x3F9D]  }
0x1a: {  	s8 =	sadd.s32 $0xFFFFE003, lr  }
0x1b: {  	s9 =	sadd.s32 $0xFFFFFEF7, lr;
	s5 =	simm.s32 $0xFFFFFFFF;
	p2 =	slt.u32 s8, $0xFFFFF086  }
0x1c: {  	p1 =	slt.u32 s9, $0xF7A;
	s5 =	simm.s32 @!p2 $0x0  }
0x1d: {  	s5 =	simm.s32 @p1 $0x1;
	p0 =	seq.s32 s7, s2  }
0x1e: {  	s7 =	smul.u32 @!p0 $0xF7A, s2;
	p2 =	seq.s32 @!p0 s5, $0x0  }
0x1f: {  	s9 =	smul.u32 $0xF7A, s1;
	s8 =	simm.s32 @!p0 $0x1BF5;
	p2 =	por !p2, p0  }
0x20: {  	[sflag:s8] =	ssyncset.s32 @!p0 $0xFFFFF086;
	s6 =	sadd.s32 @!p0 s3, s7;
	s7 =	simm.s32 @!p0 $0x108  }
0x21: {  	s3 =	sadd.s32 s3, s9;
	s6 =	sadd.s32 @!p0 $0x88, s6;
	s7 =	simm.s32 @p2 $0x1082  }
0x22: {  	[simem:s7], [sflag:s8] =	dma.local @!p0 [hbm:s6], $0xF7A  }
0x23: {  	s9 =	sor.u32 $0xD0000000, s2;
	s6 =	simm.s32 $0x108;
	_ =	swait.ge @!p0 [sflag:s8], $0x0  }
0x24: {  	s3 =	sadd.s32 $0x88, s3;
	s6 =	simm.s32 @!p1 $0x1082;
	[sflag:s4] =	ssyncset.s32 $0xFFFFF086  }
0x25: {  	[simem:s6], [sflag:s4] =	dma.local [hbm:s3], $0xF7A  }
0x26: {  	[smem:$0x3F9D] =	sst s1;
	(tag) =	ssettag s2;
	_ =	strace s9  }
0x27: {  	s1 =	sld [smem:$0x3FAD]  }
0x28: {  	s2 =	sld [smem:$0x3FAE]  }
0x29: {  	s4 =	sld [smem:$0x3FB0]  }
0x2a: {  	p0 =	seq.s32 s5, $0x0;
	s5 =	sld [smem:$0x3FB1]  }
0x2b: {  	s6 =	sld [smem:$0x3FB2]  }
0x2c: {  	s7 =	sld [smem:$0x3FB3]  }
0x2d: {  	s3 =	simm.s32 $0x108;
	s8 =	sld [smem:$0x3FB4]  }
0x2e: {  	s3 =	simm.s32 @!p0 $0x1082;
	s9 =	sld [smem:$0x3FB5]  }
0x2f: {  	lr =	sadd.s32 s0, s3;
	s0 =	sld [smem:$0x3FAC]  }
0x30: {  	s3 =	sld [smem:$0x3FAF]  }
0x31: {  	[smem:$0x3FB8] =	sst s10  }
0x32: {  	s10 =	sld [smem:$0x3FB6];
	_ =	sdelay $0x3  }
0x33: {  	p0 =	seq.s32 s10, $0x1;
	s10 =	sld [smem:$0x3FB8];
	_ =	sdelay $0x3  }
0x34: {  	[smem:$0x3FB8] =	sst s10  }
0x35: {  	s10 =	sld [smem:$0x3FB7];
	_ =	sdelay $0x3  }
0x36: {  	p1 =	seq.s32 s10, $0x1;
	s10 =	sld [smem:$0x3FB8];
	_ =	sdelay $0x3  }
0x37: {  	[smem:$0x3FB8] =	sst s10  }
0x38: {  	s10 =	sld [smem:$0x3FB9]  }
0x39: {  	_ = 	snop;
	(pc) =	sbr.ind lr, $3  }
0x3a: {  	_ = 	snop  }
0x3b: {  	_ = 	snop  }
0x3c: {  	p2 =	seq.s32 s10, $0x1;
	s10 =	sld [smem:$0x3FB8]  }
0x3d: {  	_ =	shalt  }
0x3e: {  	_ =	shalt  }
0x3f: {  	_ =	shalt  }
0x40: {  	_ =	shalt  }
0x41: {  	_ =	shalt  }
0x42: {  	_ =	shalt  }
0x43: {  	_ =	shalt  }
0x44: {  	_ =	shalt  }
0x45: {  	_ =	shalt  }
0x46: {  	_ =	shalt  }
0x47: {  	_ =	shalt  }
0x48: {  	_ =	shalt  }
0x49: {  	_ =	shalt  }
0x4a: {  	_ =	shalt  }
0x4b: {  	_ =	shalt  }
0x4c: {  	_ =	shalt  }
0x4d: {  	_ =	shalt  }
0x4e: {  	_ =	shalt  }
0x4f: {  	_ =	shalt  }
0x50: {  	_ =	shalt  }
0x51: {  	_ =	shalt  }
0x52: {  	_ =	shalt  }
0x53: {  	_ =	shalt  }
0x54: {  	_ =	shalt  }
0x55: {  	_ =	shalt  }
0x56: {  	_ =	shalt  }
0x57: {  	_ =	shalt  }
0x58: {  	_ =	shalt  }
0x59: {  	_ =	shalt  }
0x5a: {  	_ =	shalt  }
0x5b: {  	_ =	shalt  }
0x5c: {  	_ =	shalt  }
0x5d: {  	_ =	shalt  }
0x5e: {  	_ =	shalt  }
0x5f: {  	_ =	shalt  }
0x60: {  	_ =	shalt  }
0x61: {  	_ =	shalt  }
0x62: {  	_ =	shalt  }
0x63: {  	_ =	shalt  }
0x64: {  	_ =	shalt  }
0x65: {  	_ =	shalt  }
0x66: {  	_ =	shalt  }
0x67: {  	_ =	shalt  }
0x68: {  	_ =	shalt  }
0x69: {  	_ =	shalt  }
0x6a: {  	_ =	shalt  }
0x6b: {  	_ =	shalt  }
0x6c: {  	_ =	shalt  }
0x6d: {  	_ =	shalt  }
0x6e: {  	_ =	shalt  }
0x6f: {  	_ =	shalt  }
0x70: {  	_ =	shalt  }
0x71: {  	_ =	shalt  }
0x72: {  	_ =	shalt  }
0x73: {  	_ =	shalt  }
0x74: {  	_ =	shalt  }
0x75: {  	_ =	shalt  }
0x76: {  	_ =	shalt  }
0x77: {  	_ =	shalt  }
0x78: {  	_ =	shalt  }
0x79: {  	_ =	shalt  }
0x7a: {  	_ =	shalt  }
0x7b: {  	_ =	shalt  }
0x7c: {  	_ =	shalt  }
0x7d: {  	_ =	shalt  }
0x7e: {  	_ =	shalt  }
0x7f: {  	_ =	shalt  }
0x80: {  	_ =	shalt  }
0x81: {  	_ =	shalt  }
0x82: {  	_ =	shalt  }
0x83: {  	_ =	shalt  }
0x84: {  	_ =	shalt  }
0x85: {  	_ =	shalt  }
0x86: {  	_ =	shalt  }
0x87: {  	_ =	shalt  }
.Lfunc_end0:
.L_simem_size_0:
called_computation_lowered:
.L_overlay_start_0:
0x88: {  	s2 =	sld [smem:$0x3FD9]  }
0x89: {  	s3 =	sld [smem:$0x3FFE];
	_ =	sdelay $0x1  }
0x8a: {  	s1 =	srdreg.scid  }
0x8b: {  	s0 =	sand.u32 $0x1, s1  }
0x8c: {  	s17 =	sshll.u32 s0, $0xA;
	s2 =	sadd.s32 s3, s2  }
0x8d: {  	s2 =	sadd.s32 s2, s17  }
0x8e: {  	[smem:$0x3FC4] =	sst s2  }
0x8f: {  	_ = 	snop  }
0x90: {  	s2 =	sld [smem:$0x3FC9]  }
0x91: {  	s18 =	sld [smem:$0x3FC8]  }
0x92: {  	s4 =	sld [smem:$0x3FD0];
	(tm) =	ssettm $0x1  }
0x93: {  	s5 =	sld [smem:$0x3FFB];
	_ =	sdelay $0x3  }
0x94: {  	_ =	strace s5  }
0x95: {  	s5 =	sld [smem:$0x3FFC];
	_ =	sdelay $0x3  }
0x96: {  	_ =	strace s5  }
0x97: {  	s5 =	sld [smem:$0x3FFD];
	_ =	sdelay $0x3  }
0x98: {  	_ =	strace s5  }
0x99: {  	_ =	strace $0x8FFFFFFF  }
0x9a: {  	s19 =	sld [smem:$0x3FDB];
	_ =	sdelay $0x1  }
0x9b: {  	s6 =	simm.s32 $_scs_section_size  }
0x9c: {  	s7 =	simm.s32 $_size__tile_overlayer_lowered;
	s8 =	simm.s32 $_tile_overlayer_lowered  }
0x9d: {  	s22 =	simm.s32 $0x1BFF;
	s21 =	sshll.u32 s8, $0x1;
	s5 =	sadd.s32 s6, s19  }
0x9e: {  	s9 =	simm.s32 $0x0;
	s20 =	sshll.u32 s7, $0x1;
	s7 =	sadd.s32 s21, s5  }
0x9f: {  	[timem:s9], [sflag:s22] =	dma.local [hbm:s7], s20  }
0xa0: {  	_ =	swait.ge [sflag:s22], s20  }
0xa1: {  	s6 =	ssub.s32 $0x0, s20;
	[sflag:s22] =	ssyncset.done $0x0  }
0xa2: {  	[sflag:s22] =	ssyncadd.s32 s6;
	_ =	sdelay $0x1  }
0xa3: {  	s23 =	simm.s32 $0x1B8B  }
0xa4: {  	_ =	swait.ge [sflag:s23], $0x1  }
0xa5: {  	[sflag:s23] =	ssyncset.done $0x0  }
0xa6: {  	s25 =	simm.s32 $0x1B8E;
	s24 =	sld [smem:$0x3FFE];
	[sflag:s23] =	ssyncadd.s32 $0xFFFFFFFF  }
0xa7: {  	s26 =	simm.s32 $execute0_lowered;
	[smem:$0x3FD2] =	sst s25  }
0xa8: {  	s7 =	sshll.u32 s26, $0x1;
	_ =	strace $0x80000046;
	[dreg:$0x1] =	wrdreg $0xFFFFFFFF  }
0xa9: {  	s28 =	simm.s32 $_size_execute0_lowered;
	s5 =	sadd.s32 s5, s7;
	[dreg:$0x0] =	wrdreg $0x0  }
0xaa: {  	s7 =	sshll.u32 s28, $0x1;
	[dreg:$0x2] =	wrdreg s5  }
0xab: {  	[dreg:$0x3] =	wrdreg s7  }
0xac: {  	[dreg:$0x4] =	wrdreg $0xC0  }
0xad: {  	_ =	task [dreg:s9], $0x5FFFF  }
0xae: {  	[dreg:$0x1] =	wrdreg $0xFFFFFFFF  }
0xaf: {  	[dreg:$0x0] =	wrdreg $0x60  }
0xb0: {  	[dreg:$0x2] =	wrdreg s2  }
0xb1: {  	[dreg:$0x3] =	wrdreg s18  }
0xb2: {  	[dreg:$0x4] =	wrdreg s24  }
0xb3: {  	[dreg:$0x5] =	wrdreg s4  }
0xb4: {  	[dreg:$0x6] =	wrdreg $0x9  }
0xb5: {  	_ =	task.clear_ibuf [dreg:s9], $0x7FFFF;
	_ =	strace $0x90000046  }
0xb6: {  	s29 =	simm.s32 $0x9;
	_ =	strace $0x80000048  }
0xb7: {  	_ =	swait.ge [sflag:s29], $0x1  }
0xb8: {  	[sflag:s29] =	ssyncadd.s32 $0xFFFFFFFF  }
0xb9: {  	_ =	strace $0x90000048  }
0xba: {  	_ =	sfence  }
0xbb: {  	s30 =	sld [smem:$0x0];
	_ =	sdelay $0x2  }
0xbc: {  	s31 =	sshll.u32 s1, $0xD;
	s1 =	sshrl.u32 s1, $0x2  }
0xbd: {  	s3 =	sand.u32 $0x4000, s31;
	s1 =	sadd.s32 s1, s30  }
0xbe: {  	s0 =	sor.u32 s3, s0;
	s1 =	sshll.u32 s1, $0x11  }
0xbf: {  	s0 =	sor.u32 s1, s0  }
0xc0: {  	s0 =	sadd.s32 $0x8F2B, s0  }
0xc1: {  	[sflag:s0] =	ssyncadd.remote.s32 $0x1  }
0xc2: {  	_ =	sfence.sel $0xFFFF  }
0xc3: {  	[dreg:$0x0] =	wrdreg $0xFFFFFFFF;
	(pc) =	sbr.abs _section_cstart, $3  }
0xc4: {  	[dreg:$0x1] =	wrdreg $0xFFFFFFFF  }
0xc5: {  	_ =	task.clear_ibuf [dreg:s9], $0x2FFFF;
	_ =	strace $0x9FFFFFFF  }
0xc6: {  	(tm) =	ssettm $0x7FFFFFFF  }
0xc7: {  	_ =	shalt  }
tec
execute0_lowered:
.L_overlay_start_1:
0x0: {  	(tag) =	ssettag $0x1  }
0x1: {  	v10 =	vlaneseq.u32;
	v0 =	vimm.s32 $0x14131211;
	v1 =	vimm.s32 $0x18171615  }
0x2: {  	v2 =	vimm.s32 $0x1C1B1A19;
	v3 =	vimm.s32 $0x1F1E1D;
	v4 =	vimm.s32 $0x15141312  }
0x3: {  	v5 =	vimm.s32 $0x19181716;
	vm0 =	vcmask $0x1F10;
	v18 =	vimm.s32 $0x1D1C1B1A  }
0x4: {  	v19 =	vimm.s32 $0x16151413;
	v20 =	vimm.s32 $0x1A191817;
	v21 =	vimm.s32 $0x3020100  }
0x5: {  	v22 =	vimm.s32 $0x1B1A1918;
	v32 =	vimm.s32 $0x6050403;
	v45 =	vimm.s32 $0x76543210  }
0x6: {  	v54 =	vimm.s32 $0x43218765;
	vm15 =	vcmask $0x2F10;
	vm1 =	vcmask $0x3F30  }
0x7: {  	v6 =	vmul.u32 $0x80, v10;
	v11 =	vadd.s32 $0x1, v10;
	v12 =	vadd.s32 $0x2, v10  }
0x8: {  	v13 =	vadd.s32 $0x3, v10;
	v14 =	vadd.s32 $0x4, v10;
	v15 =	vadd.s32 $0x5, v10  }
0x9: {  	v16 =	vadd.s32 $0x6, v10;
	v17 =	vadd.s32 $0x7, v10;
	v61 =	vadd.s32 $0x8, v10  }
0xa: {  	v63 =	vadd.s32 $0x9, v10;
	v60 =	vadd.s32 $0xA, v10;
	v58 =	vadd.s32 $0xB, v10  }
0xb: {  	v59 =	vadd.s32 $0xC, v10;
	v0 =	vunpack.c.0.s8.s32 v0;
	v1 =	vunpack.c.0.s8.s32 v1  }
0xc: {  	v2 =	vunpack.c.0.s8.s32 v2;
	v3 =	vunpack.c.0.s8.s32 v3;
	v4 =	vunpack.c.0.s8.s32 v4  }
0xd: {  	v5 =	vunpack.c.0.s8.s32 v5;
	v23 =	vunpack.c.0.s8.s32 v20;
	v20 =	vimm.s32 $0x201001F  }
0xe: {  	v26 =	vunpack.c.0.s8.s32 v22;
	v43 =	vunpack.c.0.s8.s32 v32;
	v9 =	vor.u32 $0x10, v10  }
0xf: {  	v28 =	vunpack.c.0.s8.s32 v20;
	v20 =	vimm.s32 $0x1F1E1D1C;
	v0 =	vsel vm0, v1, v0  }
0x10: {  	v25 =	vsel vm0, v3, v2;
	v41 =	vsel vm0, v5, v4;
	v4 =	vunpack.c.0.s8.s32 v18  }
0x11: {  	v18 =	vimm.s32 $0x1001F1E;
	v29 =	vunpack.c.0.s8.s32 v20;
	v1 =	vsel vm0, v2, v1  }
0x12: {  	v27 =	vunpack.c.0.s8.s32 v18;
	v18 =	vunpack.c.0.s8.s32 v19;
	v19 =	vimm.s32 $0x1E1D1C1B  }
0x13: {  	v52 =	vcombine.low v0, v25;
	v0 =	vsel vm0, v43, v28;
	v24 =	vunpack.c.0.s8.s32 v19  }
0x14: {  	v19 =	vunpack.c.0.s8.s32 v21;
	v21 =	vimm.s32 $0x17161514;
	v46 =	vsel vm0, v29, v26  }
0x15: {  	v20 =	vunpack.c.0.s8.s32 v21;
	v30 =	vsel vm0, v27, v4;
	v21 =	vsel vm0, v23, v18  }
0x16: {  	v4 =	vsel vm0, v4, v5;
	v5 =	vimm.s32 $0x98765432;
	v31 =	vsel vm0, v28, v24  }
0x17: {  	v18 =	vsel vm0, v19, v29;
	v44 =	vsel vm0, v24, v23;
	v19 =	vsel vm0, v26, v20  }
0x18: {  	v47 =	vunpack.c.l.s4.s8 v5;
	v18 =	vcombine.low v19, v18;
	v19 =	vimm.s32 $0x5040302  }
0x19: {  	v5 =	vimm.s32 $0xA9876543;
	v20 =	vimm.s32 $0x4030201;
	v42 =	vunpack.c.0.s8.s32 v19  }
0x1a: {  	v23 =	vcombine.low v44, v0;
	v5 =	vunpack.c.l.s4.s8 v5;
	v26 =	vimm.s32 $0x32107654  }
0x1b: {  	v22 =	vunpack.c.0.s8.s32 v20;
	v49 =	vunpack.c.l.s4.s8 v26;
	v2 =	vsel vm0, v42, v27  }
0x1c: {  	s5 =	rddreg [dreg:$0x0];
	v34 =	vcombine.low v4, v2;
	v4 =	vimm.s32 $0x87654321;
	v2 =	vunpack.c.l.s4.s8 v45  }
0x1d: {  	s6 =	rddreg [dreg:$0x1];
	v51 =	vunpack.c.0.s8.s32 v5;
	v5 =	vimm.s32 $0x6543A987;
	v4 =	vunpack.c.l.s4.s8 v4  }
0x1e: {  	s4 =	rddreg [dreg:$0x2];
	v53 =	vunpack.c.0.s8.s32 v49;
	v5 =	vunpack.c.l.s4.s8 v5;
	v2 =	vunpack.c.0.s8.s32 v2  }
0x1f: {  	s7 =	rddreg [dreg:$0x3];
	s1 =	simm.s32 $0x0;
	v20 =	vcombine.low v21, v31;
	v21 =	vsel vm0, v22, v3;
	v4 =	vunpack.c.0.s8.s32 v4  }
0x20: {  	[smem:$0x7FF] =	sst s1;
	v0 =	vand.u32 $0xF, v53;
	v5 =	vunpack.c.0.s8.s32 v5;
	v24 =	vcombine.low v46, v2  }
0x21: {  	s0 =	rddreg [dreg:$0x4];
	_ =	strace $0x80000047;
	[tilespmem:$0x1FFB0] =	vst v9;
	v2 =	vunpack.c.l.s4.s8 v54;
	v48 =	vand.u32 $0xF, v4;
	v4 =	vimm.s32 $0x54329876  }
0x22: {  	[tilespmem:$0x1FFE0] =	vst v15;
	v21 =	vcombine.low v1, v21;
	v0 =	vsel vm15, v0, v29;
	v4 =	vunpack.c.l.s4.s8 v4  }
0x23: {  	[tilespmem:$0x1FFF0] =	vst v16;
	v29 =	vimm.s32 $0xB0A0908;
	v5 =	vand.u32 $0xF, v5;
	v2 =	vunpack.c.0.s8.s32 v2  }
0x24: {  	[tilespmem:$0x1FFD0] =	vst v6;
	v5 =	vsel vm15, v5, v28;
	v28 =	vimm.s32 $0xE0D0C0B;
	v4 =	vunpack.c.0.s8.s32 v4  }
0x25: {  	s3 =	srdreg.scid;
	s2 =	stileid.u32;
	s12 =	simm.s32 $0x800;
	[tilespmem:$0x1FFA0] =	vst v20;
	v29 =	vunpack.c.0.s8.s32 v29;
	v33 =	vunpack.c.0.s8.s32 v28;
	v2 =	vand.u32 $0xF, v2  }
0x26: {  	s13 =	simm.s32 $0x8800;
	s14 =	simm.s32 $0x1;
	s15 =	simm.s32 $0x2;
	[tilespmem:$0x1FFC0] =	vst v18;
	v2 =	vsel vm15, v2, v3;
	v3 =	vand.u32 $0xF, v4;
	v4 =	vimm.s32 $0xC0B0A09  }
0x27: {  	s16 =	simm.s32 $0x10800;
	s17 =	simm.s32 $0x0;
	s3 =	sand.u32 $0x1, s3;
	[tilespmem:$0x1FF90] =	vst v34;
	v8 =	vsel vm1, v29, v0;
	v25 =	vcombine.low v25, v48;
	v4 =	vunpack.c.0.s8.s32 v4  }
0x28: {  	s10 =	sshll.u32 s2, $0x6;
	s8 =	ssub.s32 $0x2, s3;
	s9 =	sshll.u32 s3, $0xA;
	v1 =	vunpack.c.0.s8.s32 v47;
	[tilespmem:$0x1FF50] =	vst v8;
	v3 =	vsel vm15, v3, v27;
	v27 =	vimm.s32 $0xD0C0B0A  }
0x29: {  	s3 =	sadd.s32 $0x400, s4;
	s4 =	sadd.s32 $0x400400, s4;
	s11 =	sshrl.u32 s8, $0x1;
	[tilespmem:$0x1FF80] =	vst v25;
	v62 =	vunpack.c.0.s8.s32 v27;
	v7 =	vsel vm1, v4, v2;
	v4 =	vsel vm1, v33, v5  }
0x2a: {  	v55 =	vadd.s32 $0xD, v10;
	s9 =	sor.u32 s10, s9;
	s10 =	simm.s32 $0x200;
	s8 =	ssub.s32 s8, s11;
	v50 =	vand.u32 $0xF, v1;
	v1 =	vand.u32 $0xF, v51;
	[tilespmem:$0x1FF40] =	vst v4  }
0x2b: {  	v56 =	vadd.s32 $0xE, v10;
	s5 =	sadd.s32 s5, s9;
	s6 =	sadd.s32 s6, s9;
	s7 =	sadd.s32 s7, s9;
	v27 =	vcombine.low v31, v1;
	v31 =	vsel vm1, v62, v3;
	[tilespmem:$0x1FF60] =	vst v7  }
0x2c: {  	v57 =	vadd.s32 $0xF, v10;
	s9 =	simm.s32 $0x3;
	s11 =	simm.s32 $0x100;
	s8 =	smax.u32 s8, $0x1;
	v19 =	vcombine.low v41, v30;
	v26 =	vcombine.low v30, v50;
	[tilespmem:$0x1FF70] =	vst v31  }
.LBB2_1:
0x2d: {  	[tilespmem:s1], [sflag:$0x3] =	stream.linear.gather [hbm4b:s5+s1], $0x200, $0x38;
	[tilespmem:$0x10A00] =	vst v63  }
0x2e: {  	_ =	swait.ge [sflag:s9], $0x200  }
0x2f: {  	[sflag:s9] =	ssyncset.done $0x0  }
0x30: {  	[sflag:s9] =	ssyncadd.s32 $0xFFFFFE00  }
0x31: {  	[tilespmem:s10], [sflag:$0x3] =	stream.linear.gather [hbm4b:s6+s1], $0x200, $0x38;
	[tilespmem:$0x10A00] =	vst v63  }
0x32: {  	_ =	swait.ge [sflag:s9], $0x200  }
0x33: {  	[sflag:s9] =	ssyncset.done $0x0  }
0x34: {  	s18 =	simm.s32 $0x0;
	[sflag:s9] =	ssyncadd.s32 $0xFFFFFE00  }
0x35: {  	v0 =	vld [tilespmem:s18+$0x200]  }
0x36: {  	s19 =	simm.s32 $0x40;
	v1 =	vld [tilespmem:s18+$0x0]  }
.LBB2_2:
0x37: {  	p0 =	sne.s32 s19, $0x7C0  }
.Ltmp0:
0x38: {  	_ = 	snop;
	(pc) =	sbr.rel @p0 .LBB2_2-.Ltmp0, $4  }
0x39: {  	_ = 	snop  }
0x3a: {  	s20 =	sshra.s32 s19, $0x2;
	s19 =	sadd.s32 $0x40, s19;
	v2 =	vand.u32 $0x3FFFF, v0  }
0x3b: {  	v0 =	vld [tilespmem:s20+$0x200];
	v3 =	vand.u32 $0x3FFFF, v1;
	[tilespmem:s18+$0x600] =	vst v2  }
0x3c: {  	v1 =	vld [tilespmem:s20+$0x0];
	[tilespmem:s18+$0x400] =	vst v3;
	s18 =	smov.u32 s20  }
0x3d: {  	_ =	sdelay $0x2  }
0x3e: {  	v0 =	vand.u32 $0x3FFFF, v0  }
0x3f: {  	v1 =	vand.u32 $0x3FFFF, v1;
	[tilespmem:s18+$0x600] =	vst v0  }
0x40: {  	p1 =	por $0x1, $0x1;
	s19 =	simm.s32 $0x0;
	[tilespmem:s18+$0x400] =	vst v1;
	s18 =	simm.s32 $0x0  }
.LBB2_4:
0x41: {  	s20 =	sadd.s32 $0x400, s19  }
0x42: {  	[tilespmem:s12], [sflag:$0x1] =	stream.indirect.gather [hbm4b:s3+s11], $0x80, s20, s11, $0xb8;
	[tilespmem:$0x10A00] =	vst v63  }
0x43: {  	s29 =	sadd.s32 $0x600, s19  }
0x44: {  	[tilespmem:s13], [sflag:$0x2] =	stream.indirect.gather [hbm4b:s4+s11], $0x80, s29, s11, $0xb8;
	[tilespmem:$0x10A00] =	vst v63  }
0x45: {  	_ =	swait.ge [sflag:s14], $0x8000  }
0x46: {  	[sflag:s14] =	ssyncset.done $0x0  }
0x47: {  	[sflag:s14] =	ssyncadd.s32 $0xFFFF8000  }
0x48: {  	_ =	swait.ge [sflag:s15], $0x8000  }
0x49: {  	s30 =	sshll.u32 s19, $0x2;
	[sflag:s15] =	ssyncset.done $0x0  }
0x4a: {  	s31 =	sshra.s32 s30, $0x2;
	[sflag:s15] =	ssyncadd.s32 $0xFFFF8000  }
0x4b: {  	s21 =	sadd.s32 $0x200, s31;
	v0 =	vld [tilespmem:s31+$0x0]  }
0x4c: {  	v1 =	vld [tilespmem:s21+$0x0];
	_ =	sdelay $0x2  }
0x4d: {  	v2 =	vmov s18  }
0x4e: {  	v2 =	vshll.u32 v2, $0x7;
	v0 =	vshrl.u32 v0, $0xD  }
0x4f: {  	v2 =	vor.u32 v6, v2;
	v1 =	vshrl.u32 v1, $0xD;
	v3 =	vand.u32 $0x7FFE0, v0  }
0x50: {  	v0 =	vand.u32 $0x7FF80, v0;
	v36 =	vand.u32 $0x7FFE0, v1;
	v1 =	vand.u32 $0x7FF80, v1  }
0x51: {  	v4 =	vor.u32 v4, v3;
	v5 =	vor.u32 v7, v3;
	v37 =	vor.u32 v11, v3  }
0x52: {  	v35 =	vor.u32 v10, v3;
	v33 =	vadd.s32 v2, v0;
	v39 =	vor.u32 v10, v36  }
0x53: {  	v40 =	vor.u32 v11, v36;
	v41 =	vor.u32 v12, v3;
	v43 =	vor.u32 v26, v3  }
0x54: {  	v44 =	vor.u32 v27, v3;
	v45 =	vor.u32 v34, v3;
	v46 =	vor.u32 v23, v3  }
0x55: {  	v47 =	vor.u32 v24, v3;
	v48 =	vor.u32 v20, v3;
	v0 =	vand.u32 $0x6F, v35  }
0x56: {  	v38 =	vand.u32 $0x6F, v39;
	v35 =	vadd.s32 v2, v1;
	v0 =	vor.u32 v33, v0  }
0x57: {  	v49 =	vor.u32 v18, v3;
	v2 =	vand.u32 $0x7F, v37;
	v1 =	vor.u32 v35, v38  }
0x58: {  	v42 =	vor.u32 v13, v3;
	v37 =	vand.u32 $0x7F, v40;
	v2 =	vor.u32 v33, v2  }
0x59: {  	v53 =	vor.u32 v13, v36;
	v42 =	vand.u32 $0x7F, v42;
	v37 =	vor.u32 v35, v37  }
0x5a: {  	v30 =	vmovc v21;
	v50 =	vor.u32 v21, v3;
	v53 =	vand.u32 $0x7F, v53;
	v42 =	vor.u32 v33, v42  }
0x5b: {  	v32 =	vmovc v23;
	v39 =	vor.u32 v12, v36;
	v38 =	vand.u32 $0x7F, v41;
	v53 =	vor.u32 v35, v53;
	v0 =	vld.idx.msk [tilespmem:v0+s12+$0x0], $0xffff  }
0x5c: {  	v29 =	vmovc v26;
	v51 =	vor.u32 v9, v3;
	v39 =	vand.u32 $0x7F, v39;
	v38 =	vor.u32 v33, v38;
	v1 =	vld.idx.msk [tilespmem:v1+s13+$0x0], $0xffff  }
0x5d: {  	v28 =	vmovc v19;
	v26 =	vmov v52;
	v52 =	vor.u32 v52, v3;
	v39 =	vor.u32 v35, v39;
	v2 =	vld.idx.msk [tilespmem:v2+s12+$0x0], $0xffff  }
0x5e: {  	v22 =	vmovc v59;
	v54 =	vor.u32 v19, v3;
	v23 =	vmov v55;
	v55 =	vor.u32 v55, v3;
	v37 =	vld.idx.msk [tilespmem:v37+s13+$0x0], $0xffff  }
0x5f: {  	v6 =	vmovc v18;
	v21 =	vmov v58;
	v58 =	vor.u32 v58, v3;
	v59 =	vor.u32 v59, v3;
	v62 =	vld.idx.msk [tilespmem:v42+s12+$0x0], $0xffff  }
0x60: {  	v18 =	vmovc v61;
	v61 =	vor.u32 v61, v3;
	v19 =	vmov v63;
	v63 =	vor.u32 v63, v3;
	v53 =	vld.idx.msk [tilespmem:v53+s13+$0x0], $0xffff  }
0x61: {  	[tilespmem:$0x1FF30] =	vst v4;
	v4 =	vor.u32 v8, v3;
	v40 =	vor.u32 v31, v3;
	v45 =	vand.u32 $0x7F, v45;
	v38 =	vld.idx.msk [tilespmem:v38+s12+$0x0], $0xffff  }
0x62: {  	v51 =	vand.u32 $0x7F, v51;
	v52 =	vand.u32 $0x7F, v52;
	v41 =	vor.u32 v25, v3;
	v39 =	vld.idx.msk [tilespmem:v39+s13+$0x0], $0xffff  }
0x63: {  	v31 =	vmovc v24;
	v42 =	vor.u32 v14, v36;
	v0 =	vmul.f32 v1, v0;
	v1 =	vor.u32 v56, v3  }
0x64: {  	v24 =	vmovc v56;
	v56 =	vor.u32 v57, v3;
	v2 =	vmul.f32 v37, v2;
	v37 =	vor.u32 v14, v3  }
0x65: {  	v8 =	vmovc v25;
	v25 =	vmovc v57;
	v57 =	vor.u32 v60, v3;
	v37 =	vand.u32 $0x7F, v37;
	v0 =	vadd.f32 $0.0e+00, v0  }
0x66: {  	v53 =	vmul.f32 v53, v62;
	v62 =	vor.u32 v15, v36;
	v37 =	vor.u32 v33, v37  }
0x67: {  	v0 =	vadd.f32 v2, v0;
	v2 =	vmul.f32 v39, v38;
	v38 =	vand.u32 $0x7F, v42  }
0x68: {  	v7 =	vmovc v20;
	v20 =	vmovc v60;
	v60 =	vor.u32 v17, v3;
	v62 =	vand.u32 $0x7F, v62;
	v38 =	vor.u32 v35, v38  }
0x69: {  	v39 =	vand.u32 $0x7F, v4;
	v4 =	vand.u32 $0x7F, v40;
	v42 =	vand.u32 $0x7F, v41  }
0x6a: {  	v40 =	vand.u32 $0x7F, v44;
	v2 =	vadd.f32 v2, v0;
	v0 =	vor.u32 v15, v3  }
0x6b: {  	v44 =	vand.u32 $0x7F, v46;
	v46 =	vor.u32 v35, v62;
	v0 =	vand.u32 $0x7F, v0  }
0x6c: {  	v41 =	vand.u32 $0x7F, v43;
	v43 =	vand.u32 $0x7F, v47;
	v37 =	vld.idx.msk [tilespmem:v37+s12+$0x0], $0xffff;
	v0 =	vor.u32 v33, v0  }
0x6d: {  	v47 =	vand.u32 $0x7F, v48;
	v48 =	vand.u32 $0x7F, v49;
	v62 =	vor.u32 v16, v36;
	v38 =	vld.idx.msk [tilespmem:v38+s13+$0x0], $0xffff  }
0x6e: {  	v49 =	vand.u32 $0x7F, v50;
	v50 =	vand.u32 $0x7F, v62;
	v3 =	vor.u32 v16, v3  }
0x6f: {  	v58 =	vand.u32 $0x7F, v58;
	v50 =	vor.u32 v35, v50;
	v3 =	vand.u32 $0x7F, v3  }
0x70: {  	v59 =	vand.u32 $0x7F, v59;
	v58 =	vor.u32 v33, v58;
	v3 =	vor.u32 v33, v3;
	v46 =	vld.idx.msk [tilespmem:v46+s13+$0x0], $0xffff  }
0x71: {  	v59 =	vor.u32 v33, v59;
	v60 =	vand.u32 $0x7F, v60;
	v62 =	vor.u32 v17, v36;
	v0 =	vld.idx.msk [tilespmem:v0+s12+$0x0], $0xffff  }
0x72: {  	v2 =	vadd.f32 v53, v2;
	v53 =	vand.u32 $0x7F, v54;
	v37 =	vmul.f32 v38, v37  }
0x73: {  	v54 =	vor.u32 v33, v60;
	v60 =	vand.u32 $0x7F, v61;
	v38 =	vand.u32 $0x7F, v62  }
0x74: {  	v50 =	vld.idx.msk [tilespmem:v50+s13+$0x0], $0xffff;
	v38 =	vor.u32 v35, v38;
	v2 =	vadd.f32 v37, v2;
	v37 =	vor.u32 v18, v36  }
0x75: {  	v61 =	vand.u32 $0x7F, v63;
	v60 =	vor.u32 v33, v60;
	v3 =	vld.idx.msk [tilespmem:v3+s12+$0x0], $0xffff;
	v37 =	vand.u32 $0x7F, v37  }
0x76: {  	v58 =	vld.idx.msk [tilespmem:v58+s12+$0x0], $0xffff;
	v0 =	vmul.f32 v46, v0;
	v46 =	vor.u32 v19, v36;
	v37 =	vor.u32 v35, v37  }
0x77: {  	v59 =	vld.idx.msk [tilespmem:v59+s12+$0x0], $0xffff;
	v57 =	vand.u32 $0x7F, v57;
	v61 =	vor.u32 v33, v61;
	v46 =	vand.u32 $0x7F, v46  }
0x78: {  	v54 =	vld.idx.msk [tilespmem:v54+s12+$0x0], $0xffff;
	v46 =	vor.u32 v35, v46;
	v0 =	vadd.f32 v0, v2;
	v2 =	vor.u32 v20, v36  }
0x79: {  	v55 =	vand.u32 $0x7F, v55;
	v57 =	vor.u32 v33, v57;
	v38 =	vld.idx.msk [tilespmem:v38+s13+$0x0], $0xffff;
	v2 =	vand.u32 $0x7F, v2  }
0x7a: {  	v63 =	vor.u32 v21, v36;
	v60 =	vld.idx.msk [tilespmem:v60+s12+$0x0], $0xffff;
	v3 =	vmul.f32 v50, v3;
	v2 =	vor.u32 v35, v2  }
0x7b: {  	v55 =	vor.u32 v33, v55;
	v51 =	vor.u32 v33, v51;
	v50 =	vand.u32 $0x7F, v63;
	v37 =	vld.idx.msk [tilespmem:v37+s13+$0x0], $0xffff  }
0x7c: {  	v61 =	vld.idx.msk [tilespmem:v61+s12+$0x0], $0xffff;
	v50 =	vor.u32 v35, v50;
	v0 =	vadd.f32 v3, v0;
	v3 =	vor.u32 v22, v36  }
0x7d: {  	v52 =	vor.u32 v33, v52;
	v62 =	vor.u32 v23, v36;
	v3 =	vand.u32 $0x7F, v3;
	v46 =	vld.idx.msk [tilespmem:v46+s13+$0x0], $0xffff  }
0x7e: {  	v3 =	vor.u32 v35, v3;
	v38 =	vmul.f32 v38, v54;
	v54 =	vld.idx.msk [tilespmem:v57+s12+$0x0], $0xffff;
	v57 =	vand.u32 $0x7F, v62  }
0x7f: {  	v1 =	vand.u32 $0x7F, v1;
	v63 =	vor.u32 v24, v36;
	v2 =	vld.idx.msk [tilespmem:v2+s13+$0x0], $0xffff;
	v57 =	vor.u32 v35, v57  }
0x80: {  	v55 =	vld.idx.msk [tilespmem:v55+s12+$0x0], $0xffff;
	v0 =	vadd.f32 v38, v0;
	v38 =	vand.u32 $0x7F, v63;
	v37 =	vmul.f32 v37, v60  }
0x81: {  	v56 =	vand.u32 $0x7F, v56;
	v1 =	vor.u32 v33, v1;
	v50 =	vld.idx.msk [tilespmem:v50+s13+$0x0], $0xffff;
	v38 =	vor.u32 v35, v38  }
0x82: {  	v51 =	vld.idx.msk [tilespmem:v51+s12+$0x0], $0xffff;
	v60 =	vor.u32 v25, v36;
	v0 =	vadd.f32 v37, v0;
	v37 =	vmul.f32 v46, v61  }
0x83: {  	v56 =	vor.u32 v33, v56;
	v3 =	vld.idx.msk [tilespmem:v3+s13+$0x0], $0xffff;
	v62 =	vand.u32 $0x7F, v60;
	v60 =	vor.u32 v9, v36  }
0x84: {  	v52 =	vld.idx.msk [tilespmem:v52+s12+$0x0], $0xffff;
	v46 =	vor.u32 v35, v62;
	v2 =	vmul.f32 v2, v54;
	v0 =	vadd.f32 v37, v0  }
0x85: {  	v45 =	vor.u32 v33, v45;
	v63 =	vand.u32 $0x7F, v60;
	v60 =	vor.u32 v26, v36;
	v54 =	vld.idx.msk [tilespmem:v57+s13+$0x0], $0xffff  }
0x86: {  	v1 =	vld.idx.msk [tilespmem:v1+s12+$0x0], $0xffff;
	v37 =	vor.u32 v35, v63;
	v0 =	vadd.f32 v2, v0;
	v2 =	vmul.f32 v50, v58  }
0x87: {  	v62 =	vor.u32 v28, v36;
	v61 =	vand.u32 $0x7F, v60;
	v38 =	vld.idx.msk [tilespmem:v38+s13+$0x0], $0xffff  }
0x88: {  	v56 =	vld.idx.msk [tilespmem:v56+s12+$0x0], $0xffff;
	v50 =	vor.u32 v35, v61;
	v0 =	vadd.f32 v2, v0;
	v2 =	vmul.f32 v3, v59  }
0x89: {  	v53 =	vor.u32 v33, v53;
	v63 =	vor.u32 v7, v36;
	v46 =	vld.idx.msk [tilespmem:v46+s13+$0x0], $0xffff;
	v3 =	vand.u32 $0x7F, v62  }
0x8a: {  	v45 =	vld.idx.msk [tilespmem:v45+s12+$0x0], $0xffff;
	v3 =	vor.u32 v35, v3;
	v0 =	vadd.f32 v2, v0;
	v2 =	vmul.f32 v54, v55  }
0x8b: {  	v47 =	vor.u32 v33, v47;
	v57 =	vand.u32 $0x7F, v63;
	v58 =	vor.u32 v6, v36;
	v37 =	vld.idx.msk [tilespmem:v37+s13+$0x0], $0xffff  }
0x8c: {  	v16 =	vld [tilespmem:$0x1FF60];
	v54 =	vor.u32 v35, v57;
	v1 =	vmul.f32 v38, v1;
	v0 =	vadd.f32 v2, v0  }
0x8d: {  	v61 =	vor.u32 v30, v36;
	v59 =	vor.u32 v33, v48;
	v60 =	vld.idx.msk [tilespmem:v50+s13+$0x0], $0xffff;
	v2 =	vand.u32 $0x7F, v58  }
0x8e: {  	v53 =	vld.idx.msk [tilespmem:v53+s12+$0x0], $0xffff;
	v2 =	vor.u32 v35, v2;
	v0 =	vadd.f32 v1, v0;
	v1 =	vmul.f32 v46, v56  }
0x8f: {  	v49 =	vor.u32 v33, v49;
	v62 =	vand.u32 $0x7F, v61;
	v3 =	vld.idx.msk [tilespmem:v3+s13+$0x0], $0xffff  }
0x90: {  	v47 =	vld.idx.msk [tilespmem:v47+s12+$0x0], $0xffff;
	v46 =	vor.u32 v35, v62;
	v0 =	vadd.f32 v1, v0;
	v1 =	vmul.f32 v37, v51  }
0x91: {  	v44 =	vor.u32 v33, v44;
	v54 =	vld.idx.msk [tilespmem:v54+s13+$0x0], $0xffff  }
0x92: {  	v63 =	vor.u32 v34, v36;
	v38 =	vld.idx.msk [tilespmem:v59+s12+$0x0], $0xffff;
	v0 =	vadd.f32 v1, v0;
	v1 =	vmul.f32 v60, v52  }
0x93: {  	v43 =	vor.u32 v33, v43;
	v55 =	vmov v34;
	v34 =	vand.u32 $0x7F, v63;
	v2 =	vld.idx.msk [tilespmem:v2+s13+$0x0], $0xffff  }
0x94: {  	v49 =	vld.idx.msk [tilespmem:v49+s12+$0x0], $0xffff;
	v37 =	vor.u32 v35, v34;
	v0 =	vadd.f32 v1, v0;
	v1 =	vmul.f32 v3, v53  }
0x95: {  	v42 =	vor.u32 v33, v42;
	v56 =	vor.u32 v32, v36;
	v46 =	vld.idx.msk [tilespmem:v46+s13+$0x0], $0xffff  }
0x96: {  	v15 =	vld [tilespmem:$0x1FF30];
	v57 =	vand.u32 $0x7F, v56;
	v0 =	vadd.f32 v1, v0;
	v1 =	vmul.f32 v54, v47  }
0x97: {  	v44 =	vld.idx.msk [tilespmem:v44+s12+$0x0], $0xffff;
	v58 =	vor.u32 v31, v36;
	v48 =	vor.u32 v35, v57  }
0x98: {  	v43 =	vld.idx.msk [tilespmem:v43+s12+$0x0], $0xffff;
	v3 =	vand.u32 $0x7F, v58;
	v0 =	vadd.f32 v1, v0;
	v1 =	vmul.f32 v2, v38  }
0x99: {  	v59 =	vor.u32 v8, v36;
	v3 =	vor.u32 v35, v3;
	v37 =	vld.idx.msk [tilespmem:v37+s13+$0x0], $0xffff  }
0x9a: {  	v60 =	vand.u32 $0x7F, v59;
	v0 =	vadd.f32 v1, v0;
	v1 =	vmul.f32 v46, v49;
	v49 =	vld [tilespmem:$0x1FF50]  }
0x9b: {  	v5 =	vand.u32 $0x7F, v5;
	v42 =	vld.idx.msk [tilespmem:v42+s12+$0x0], $0xffff;
	v61 =	vor.u32 v29, v36;
	v47 =	vor.u32 v35, v60  }
0x9c: {  	v62 =	vor.u32 v33, v41;
	v34 =	vor.u32 v27, v36;
	v63 =	vld.idx.msk [tilespmem:v48+s13+$0x0], $0xffff;
	v2 =	vand.u32 $0x7F, v61  }
0x9d: {  	v40 =	vor.u32 v33, v40;
	v51 =	vand.u32 $0x7F, v34;
	v58 =	vld [tilespmem:$0x1FF70];
	v2 =	vor.u32 v35, v2  }
0x9e: {  	v56 =	vor.u32 v16, v36;
	v60 =	vand.u32 $0x7F, v15;
	v3 =	vld.idx.msk [tilespmem:v3+s13+$0x0], $0xffff;
	v46 =	vor.u32 v35, v51  }
0x9f: {  	v15 =	vld [tilespmem:$0x1FF40];
	v0 =	vadd.f32 v1, v0;
	v1 =	vmul.f32 v37, v45;
	v52 =	vor.u32 v49, v36  }
0xa0: {  	v39 =	vor.u32 v33, v39;
	v57 =	vand.u32 $0x7F, v56;
	v54 =	vld.idx.msk [tilespmem:v47+s13+$0x0], $0xffff;
	v53 =	vand.u32 $0x7F, v52  }
0xa1: {  	v38 =	vld.idx.msk [tilespmem:v62+s12+$0x0], $0xffff;
	v0 =	vadd.f32 v1, v0;
	v1 =	vmul.f32 v63, v44;
	v37 =	vor.u32 v35, v53  }
0xa2: {  	v5 =	vor.u32 v33, v5;
	v41 =	vor.u32 v35, v57;
	v2 =	vld.idx.msk [tilespmem:v2+s13+$0x0], $0xffff  }
0xa3: {  	v40 =	vld.idx.msk [tilespmem:v40+s12+$0x0], $0xffff;
	v59 =	vor.u32 v58, v36;
	v0 =	vadd.f32 v1, v0;
	v1 =	vmul.f32 v3, v43  }
0xa4: {  	v4 =	vor.u32 v33, v4;
	v61 =	vld.idx.msk [tilespmem:v46+s13+$0x0], $0xffff;
	v36 =	vor.u32 v15, v36;
	v3 =	vand.u32 $0x7F, v59  }
0xa5: {  	v39 =	vld.idx.msk [tilespmem:v39+s12+$0x0], $0xffff;
	v3 =	vor.u32 v35, v3;
	v0 =	vadd.f32 v1, v0;
	v1 =	vmul.f32 v54, v42  }
0xa6: {  	v33 =	vor.u32 v33, v60;
	v36 =	vand.u32 $0x7F, v36;
	v62 =	vld.idx.msk [tilespmem:v37+s13+$0x0], $0xffff  }
0xa7: {  	v5 =	vld.idx.msk [tilespmem:v5+s12+$0x0], $0xffff;
	v35 =	vor.u32 v35, v36;
	v0 =	vadd.f32 v1, v0;
	v1 =	vmul.f32 v2, v38  }
0xa8: {  	v2 =	vld.idx.msk [tilespmem:v41+s13+$0x0], $0xffff  }
0xa9: {  	v4 =	vld.idx.msk [tilespmem:v4+s12+$0x0], $0xffff;
	v0 =	vadd.f32 v1, v0;
	v1 =	vmul.f32 v61, v40  }
0xaa: {  	v3 =	vld.idx.msk [tilespmem:v3+s13+$0x0], $0xffff  }
0xab: {  	v33 =	vld.idx.msk [tilespmem:v33+s12+$0x0], $0xffff;
	v0 =	vadd.f32 v1, v0;
	v1 =	vmul.f32 v62, v39  }
0xac: {  	v63 =	vld.idx.msk [tilespmem:v35+s13+$0x0], $0xffff  }
0xad: {  	v0 =	vadd.f32 v1, v0;
	v1 =	vmul.f32 v2, v5;
	_ =	sdelay $0x1  }
0xae: {  	v0 =	vadd.f32 v1, v0;
	v1 =	vmul.f32 v3, v4;
	_ =	sdelay $0x1  }
0xaf: {  	v0 =	vadd.f32 v1, v0;
	v1 =	vmul.f32 v63, v33;
	_ =	sdelay $0x1  }
0xb0: {  	v0 =	vadd.f32 v1, v0;
	_ =	sdelay $0x1  }
0xb1: {  	v0 =	vsub.f32 $0.0e+00, v0;
	_ =	sdelay $0x1  }
0xb2: {  	v0 =	vmul.f32 $1.442695020e+00, v0;
	_ =	sdelay $0x1  }
0xb3: {  	(erf) = vpow2.f32 v0;
	_ =	sdelay $0x8  }
0xb4: {  	v0 =	vpop (erf)  }
0xb5: {  	v0 =	vadd.f32 $1.000000000e+00, v0;
	_ =	sdelay $0x1  }
0xb6: {  	(erf) = vrcp.f32 v0;
	_ =	sdelay $0x8  }
0xb7: {  	s19 =	sadd.s32 $0x10800, s31;
	v0 =	vpop (erf)  }
0xb8: {  	s20 =	sadd.s32 $0x10, s31;
	[tilespmem:s19+$0x0] =	vst v0  }
0xb9: {  	v0 =	vld [tilespmem:s20+$0x0];
	_ =	sdelay $0x1  }
0xba: {  	v2 =	vld [tilespmem:$0x1FFD0];
	_ =	sdelay $0x1  }
0xbb: {  	s22 =	simm.s32 $0x10  }
0xbc: {  	v1 =	vmov s22;
	v0 =	vshrl.u32 v0, $0xD  }
0xbd: {  	v1 =	vshll.u32 v1, $0x7;
	v4 =	vand.u32 $0x7FFE0, v0  }
0xbe: {  	v63 =	vor.u32 v2, v1;
	v5 =	vand.u32 $0x7FF80, v0;
	v34 =	vor.u32 v15, v4  }
0xbf: {  	v35 =	vor.u32 v49, v4;
	v36 =	vor.u32 v16, v4;
	v43 =	vor.u32 v58, v4  }
0xc0: {  	v40 =	vor.u32 v8, v4;
	v39 =	vor.u32 v29, v4;
	v38 =	vor.u32 v27, v4  }
0xc1: {  	v44 =	vor.u32 v55, v4;
	v42 =	vor.u32 v32, v4;
	v41 =	vor.u32 v31, v4  }
0xc2: {  	v48 =	vor.u32 v7, v4;
	v47 =	vor.u32 v6, v4;
	v46 =	vor.u32 v30, v4  }
0xc3: {  	v51 =	vor.u32 v9, v4;
	v50 =	vor.u32 v26, v4;
	v49 =	vor.u32 v28, v4  }
0xc4: {  	v54 =	vor.u32 v23, v4;
	v53 =	vor.u32 v24, v4;
	v52 =	vor.u32 v25, v4;
	v15 =	vld [tilespmem:$0x1FFE0]  }
0xc5: {  	v55 =	vor.u32 v20, v4;
	v56 =	vor.u32 v21, v4;
	v60 =	vor.u32 v22, v4;
	v16 =	vld [tilespmem:$0x1FFF0]  }
0xc6: {  	v57 =	vor.u32 v17, v4;
	v58 =	vor.u32 v18, v4;
	v59 =	vor.u32 v19, v4  }
0xc7: {  	v0 =	vor.u32 v14, v4;
	v3 =	vor.u32 v11, v4;
	v2 =	vor.u32 v12, v4  }
0xc8: {  	v1 =	vor.u32 v13, v4;
	v33 =	vadd.s32 v63, v5;
	v34 =	vand.u32 $0x7F, v34  }
0xc9: {  	s21 =	sadd.s32 $0x10, s21;
	v37 =	vand.u32 $0x7F, v35;
	v36 =	vand.u32 $0x7F, v36;
	v35 =	vand.u32 $0x7F, v43  }
0xca: {  	p0 =	por p1, p1;
	s22 =	simm.s32 $0x20;
	v5 =	vld [tilespmem:s21+$0x0];
	v62 =	vor.u32 v15, v4;
	v61 =	vor.u32 v16, v4;
	v4 =	vor.u32 v10, v4  }
.LBB2_5:
0xcb: {  	_ = 	snop  }
0xcc: {  	v45 =	vand.u32 $0x7F, v40;
	v43 =	vand.u32 $0x7F, v39;
	v40 =	vand.u32 $0x7F, v38  }
0xcd: {  	v46 =	vand.u32 $0x7F, v46;
	v50 =	vand.u32 $0x7F, v50;
	v4 =	vand.u32 $0x6F, v4  }
0xce: {  	v3 =	vand.u32 $0x7F, v3;
	v2 =	vand.u32 $0x7F, v2;
	v4 =	vor.u32 v33, v4  }
0xcf: {  	v1 =	vand.u32 $0x7F, v1;
	v3 =	vor.u32 v33, v3;
	v5 =	vshrl.u32 v5, $0xD  }
0xd0: {  	v0 =	vand.u32 $0x7F, v0;
	v2 =	vor.u32 v33, v2;
	v38 =	vand.u32 $0x7FFE0, v5  }
0xd1: {  	v1 =	vor.u32 v33, v1;
	v5 =	vand.u32 $0x7FF80, v5;
	v39 =	vor.u32 v10, v38  }
0xd2: {  	v0 =	vor.u32 v33, v0;
	v6 =	vand.u32 $0x6F, v39;
	v39 =	vadd.s32 v63, v5  }
0xd3: {  	v54 =	vand.u32 $0x7F, v54;
	v4 =	vld.idx.msk [tilespmem:v4+s12+$0x0], $0xffff;
	v5 =	vor.u32 v39, v6;
	v6 =	vor.u32 v11, v38  }
0xd4: {  	v54 =	vor.u32 v33, v54;
	v3 =	vld.idx.msk [tilespmem:v3+s12+$0x0], $0xffff;
	v63 =	vor.u32 v12, v38;
	v6 =	vand.u32 $0x7F, v6  }
0xd5: {  	v60 =	vand.u32 $0x7F, v60;
	v2 =	vld.idx.msk [tilespmem:v2+s12+$0x0], $0xffff;
	v63 =	vand.u32 $0x7F, v63;
	v6 =	vor.u32 v39, v6  }
0xd6: {  	v56 =	vand.u32 $0x7F, v56;
	v7 =	vor.u32 v13, v38;
	v1 =	vld.idx.msk [tilespmem:v1+s12+$0x0], $0xffff;
	v63 =	vor.u32 v39, v63  }
0xd7: {  	v55 =	vand.u32 $0x7F, v55;
	v50 =	vor.u32 v33, v50;
	v0 =	vld.idx.msk [tilespmem:v0+s12+$0x0], $0xffff;
	v7 =	vand.u32 $0x7F, v7  }
0xd8: {  	v59 =	vand.u32 $0x7F, v59;
	v8 =	vor.u32 v14, v38;
	v7 =	vor.u32 v39, v7;
	v5 =	vld.idx.msk [tilespmem:v5+s13+$0x0], $0xffff  }
0xd9: {  	v58 =	vand.u32 $0x7F, v58;
	v46 =	vor.u32 v33, v46;
	v54 =	vld.idx.msk [tilespmem:v54+s12+$0x0], $0xffff;
	v8 =	vand.u32 $0x7F, v8  }
0xda: {  	v62 =	vand.u32 $0x7F, v62;
	v9 =	vor.u32 v15, v38;
	v8 =	vor.u32 v39, v8;
	v6 =	vld.idx.msk [tilespmem:v6+s13+$0x0], $0xffff  }
0xdb: {  	v57 =	vand.u32 $0x7F, v57;
	v62 =	vor.u32 v33, v62;
	v9 =	vand.u32 $0x7F, v9;
	v63 =	vld.idx.msk [tilespmem:v63+s13+$0x0], $0xffff  }
0xdc: {  	v61 =	vand.u32 $0x7F, v61;
	v10 =	vor.u32 v16, v38;
	v50 =	vld.idx.msk [tilespmem:v50+s12+$0x0], $0xffff;
	v9 =	vor.u32 v39, v9  }
0xdd: {  	v10 =	vand.u32 $0x7F, v10;
	v4 =	vmul.f32 v5, v4;
	v5 =	vld.idx.msk [tilespmem:v7+s13+$0x0], $0xffff;
	v7 =	vor.u32 v33, v61  }
0xde: {  	v57 =	vor.u32 v33, v57;
	v59 =	vor.u32 v33, v59;
	v46 =	vld.idx.msk [tilespmem:v46+s12+$0x0], $0xffff;
	v10 =	vor.u32 v39, v10  }
0xdf: {  	v61 =	vor.u32 v17, v38;
	v4 =	vadd.f32 $0.0e+00, v4;
	v3 =	vmul.f32 v6, v3;
	v6 =	vld.idx.msk [tilespmem:v8+s13+$0x0], $0xffff  }
0xe0: {  	v2 =	vmul.f32 v63, v2;
	v8 =	vand.u32 $0x7F, v61;
	v61 =	vld.idx.msk [tilespmem:v62+s12+$0x0], $0xffff;
	v62 =	vor.u32 v18, v38  }
0xe1: {  	v8 =	vor.u32 v39, v8;
	v3 =	vadd.f32 v3, v4;
	v4 =	vld.idx.msk [tilespmem:v9+s13+$0x0], $0xffff;
	v9 =	vand.u32 $0x7F, v62  }
0xe2: {  	v58 =	vor.u32 v33, v58;
	v62 =	vor.u32 v19, v38;
	v7 =	vld.idx.msk [tilespmem:v7+s12+$0x0], $0xffff;
	v9 =	vor.u32 v39, v9  }
0xe3: {  	v1 =	vmul.f32 v5, v1;
	v5 =	vand.u32 $0x7F, v62;
	v2 =	vadd.f32 v2, v3;
	v3 =	vld.idx.msk [tilespmem:v10+s13+$0x0], $0xffff  }
0xe4: {  	v55 =	vor.u32 v33, v55;
	v63 =	vor.u32 v20, v38;
	v10 =	vld.idx.msk [tilespmem:v57+s12+$0x0], $0xffff;
	v5 =	vor.u32 v39, v5  }
0xe5: {  	v57 =	vld.idx.msk [tilespmem:v59+s12+$0x0], $0xffff;
	v0 =	vmul.f32 v6, v0;
	v6 =	vand.u32 $0x7F, v63;
	v1 =	vadd.f32 v1, v2  }
0xe6: {  	v56 =	vor.u32 v33, v56;
	v62 =	vor.u32 v21, v38;
	v2 =	vld.idx.msk [tilespmem:v8+s13+$0x0], $0xffff;
	v6 =	vor.u32 v39, v6  }
0xe7: {  	v0 =	vadd.f32 v0, v1;
	v1 =	vmul.f32 v4, v61;
	v4 =	vld.idx.msk [tilespmem:v9+s13+$0x0], $0xffff;
	v9 =	vand.u32 $0x7F, v62  }
0xe8: {  	v63 =	vor.u32 v33, v60;
	v60 =	vor.u32 v22, v38;
	v8 =	vld.idx.msk [tilespmem:v58+s12+$0x0], $0xffff;
	v9 =	vor.u32 v39, v9  }
0xe9: {  	v0 =	vadd.f32 v1, v0;
	v1 =	vmul.f32 v3, v7;
	v3 =	vld.idx.msk [tilespmem:v5+s13+$0x0], $0xffff;
	v5 =	vand.u32 $0x7F, v60  }
0xea: {  	v53 =	vand.u32 $0x7F, v53;
	v61 =	vor.u32 v23, v38;
	v7 =	vld.idx.msk [tilespmem:v55+s12+$0x0], $0xffff;
	v5 =	vor.u32 v39, v5  }
0xeb: {  	v0 =	vadd.f32 v1, v0;
	v1 =	vmul.f32 v2, v10;
	v2 =	vld.idx.msk [tilespmem:v6+s13+$0x0], $0xffff;
	v6 =	vand.u32 $0x7F, v61  }
0xec: {  	v53 =	vor.u32 v33, v53;
	v10 =	vld.idx.msk [tilespmem:v56+s12+$0x0], $0xffff;
	v6 =	vor.u32 v39, v6  }
0xed: {  	v62 =	vor.u32 v24, v38;
	v56 =	vld [tilespmem:$0x1FFB0];
	v0 =	vadd.f32 v1, v0;
	v1 =	vmul.f32 v4, v8  }
0xee: {  	v52 =	vand.u32 $0x7F, v52;
	v4 =	vld.idx.msk [tilespmem:v9+s13+$0x0], $0xffff;
	v8 =	vand.u32 $0x7F, v62  }
0xef: {  	v9 =	vld.idx.msk [tilespmem:v63+s12+$0x0], $0xffff;
	v8 =	vor.u32 v39, v8;
	v0 =	vadd.f32 v1, v0;
	v1 =	vmul.f32 v3, v57  }
0xf0: {  	v52 =	vor.u32 v33, v52;
	v63 =	vor.u32 v25, v38;
	v3 =	vld.idx.msk [tilespmem:v5+s13+$0x0], $0xffff  }
0xf1: {  	v5 =	vand.u32 $0x7F, v63;
	v0 =	vadd.f32 v1, v0;
	v1 =	vmul.f32 v2, v7;
	v2 =	vld.idx.msk [tilespmem:v6+s13+$0x0], $0xffff  }
0xf2: {  	v51 =	vand.u32 $0x7F, v51;
	v5 =	vor.u32 v39, v5;
	v7 =	vld.idx.msk [tilespmem:v53+s12+$0x0], $0xffff  }
0xf3: {  	v51 =	vor.u32 v33, v51;
	v59 =	vor.u32 v26, v38;
	v58 =	vor.u32 v56, v38;
	v53 =	vld [tilespmem:$0x1FFC0]  }
0xf4: {  	v6 =	vand.u32 $0x7F, v58;
	v0 =	vadd.f32 v1, v0;
	v1 =	vmul.f32 v4, v10;
	v4 =	vld.idx.msk [tilespmem:v8+s13+$0x0], $0xffff  }
0xf5: {  	v49 =	vand.u32 $0x7F, v49;
	v6 =	vor.u32 v39, v6;
	v8 =	vand.u32 $0x7F, v59;
	v10 =	vld.idx.msk [tilespmem:v52+s12+$0x0], $0xffff  }
0xf6: {  	v49 =	vor.u32 v33, v49;
	v52 =	vld [tilespmem:$0x1FFA0];
	v8 =	vor.u32 v39, v8  }
0xf7: {  	v60 =	vor.u32 v28, v38;
	v0 =	vadd.f32 v1, v0;
	v1 =	vmul.f32 v3, v9;
	v3 =	vld.idx.msk [tilespmem:v5+s13+$0x0], $0xffff  }
0xf8: {  	v48 =	vand.u32 $0x7F, v48;
	v5 =	vand.u32 $0x7F, v60;
	v9 =	vld.idx.msk [tilespmem:v51+s12+$0x0], $0xffff  }
0xf9: {  	v51 =	vld [tilespmem:$0x1FF60];
	v5 =	vor.u32 v39, v5;
	v0 =	vadd.f32 v1, v0;
	v1 =	vmul.f32 v2, v54  }
0xfa: {  	v47 =	vand.u32 $0x7F, v47;
	v48 =	vor.u32 v33, v48;
	v2 =	vld.idx.msk [tilespmem:v6+s13+$0x0], $0xffff  }
0xfb: {  	v58 =	vor.u32 v33, v45;
	v0 =	vadd.f32 v1, v0;
	v1 =	vmul.f32 v4, v7;
	v4 =	vld.idx.msk [tilespmem:v8+s13+$0x0], $0xffff  }
0xfc: {  	v47 =	vor.u32 v33, v47;
	v62 =	vor.u32 v53, v38;
	v61 =	vor.u32 v52, v38;
	v8 =	vld.idx.msk [tilespmem:v49+s12+$0x0], $0xffff  }
0xfd: {  	v6 =	vand.u32 $0x7F, v61;
	v7 =	vand.u32 $0x7F, v62;
	v49 =	vld [tilespmem:$0x1FF90]  }
0xfe: {  	v6 =	vor.u32 v39, v6;
	v0 =	vadd.f32 v1, v0;
	v1 =	vmul.f32 v3, v10;
	v3 =	vld.idx.msk [tilespmem:v5+s13+$0x0], $0xffff  }
0xff: {  	v63 =	vor.u32 v30, v38;
	v7 =	vor.u32 v39, v7;
	v10 =	vld.idx.msk [tilespmem:v48+s12+$0x0], $0xffff  }
0x100: {  	v44 =	vand.u32 $0x7F, v44;
	v42 =	vand.u32 $0x7F, v42;
	v5 =	vand.u32 $0x7F, v63;
	v63 =	vld.idx.msk [tilespmem:v58+s12+$0x0], $0xffff  }
0x101: {  	v5 =	vor.u32 v39, v5;
	v0 =	vadd.f32 v1, v0;
	v1 =	vmul.f32 v2, v9;
	v9 =	vld.idx.msk [tilespmem:v47+s12+$0x0], $0xffff  }
0x102: {  	v41 =	vand.u32 $0x7F, v41;
	v44 =	vor.u32 v33, v44;
	v47 =	vld [tilespmem:$0x1FF80];
	v54 =	vor.u32 v49, v38  }
0x103: {  	v55 =	vor.u32 v32, v38;
	v2 =	vld.idx.msk [tilespmem:v6+s13+$0x0], $0xffff;
	v6 =	vand.u32 $0x7F, v54;
	v0 =	vadd.f32 v1, v0  }
0x104: {  	v1 =	vmul.f32 v4, v50;
	v4 =	vld.idx.msk [tilespmem:v7+s13+$0x0], $0xffff;
	v7 =	vand.u32 $0x7F, v55;
	v6 =	vor.u32 v39, v6  }
0x105: {  	v42 =	vor.u32 v33, v42;
	v57 =	vor.u32 v31, v38;
	v48 =	vld [tilespmem:$0x1FF50];
	v7 =	vor.u32 v39, v7  }
0x106: {  	v0 =	vadd.f32 v1, v0;
	v1 =	vmul.f32 v3, v8;
	v3 =	vld.idx.msk [tilespmem:v5+s13+$0x0], $0xffff;
	v5 =	vand.u32 $0x7F, v57  }
0x107: {  	v41 =	vor.u32 v33, v41;
	v55 =	vld [tilespmem:$0x1FF70];
	v5 =	vor.u32 v39, v5  }
0x108: {  	v8 =	vld.idx.msk [tilespmem:v44+s12+$0x0], $0xffff;
	v59 =	vor.u32 v47, v38;
	v0 =	vadd.f32 v1, v0;
	v1 =	vmul.f32 v2, v10  }
0x109: {  	v61 =	vor.u32 v29, v38;
	v2 =	vld.idx.msk [tilespmem:v6+s13+$0x0], $0xffff;
	v6 =	vand.u32 $0x7F, v59  }
0x10a: {  	v10 =	vld.idx.msk [tilespmem:v42+s12+$0x0], $0xffff;
	v6 =	vor.u32 v39, v6;
	v0 =	vadd.f32 v1, v0;
	v1 =	vmul.f32 v4, v9  }
0x10b: {  	v60 =	vor.u32 v33, v43;
	v62 =	vor.u32 v27, v38;
	v4 =	vld.idx.msk [tilespmem:v7+s13+$0x0], $0xffff;
	v7 =	vand.u32 $0x7F, v61  }
0x10c: {  	v9 =	vld.idx.msk [tilespmem:v41+s12+$0x0], $0xffff;
	v7 =	vor.u32 v39, v7;
	v0 =	vadd.f32 v1, v0;
	v1 =	vmul.f32 v3, v46  }
0x10d: {  	v40 =	vor.u32 v33, v40;
	v50 =	vor.u32 v48, v38;
	v3 =	vld.idx.msk [tilespmem:v5+s13+$0x0], $0xffff;
	v5 =	vand.u32 $0x7F, v62  }
0x10e: {  	v59 =	vld [tilespmem:$0x1FF40];
	v5 =	vor.u32 v39, v5;
	v0 =	vadd.f32 v1, v0;
	v1 =	vmul.f32 v2, v8  }
0x10f: {  	v37 =	vor.u32 v33, v37;
	v54 =	vor.u32 v51, v38;
	v2 =	vld.idx.msk [tilespmem:v6+s13+$0x0], $0xffff;
	v6 =	vand.u32 $0x7F, v50  }
0x110: {  	v8 =	vld.idx.msk [tilespmem:v60+s12+$0x0], $0xffff;
	v6 =	vor.u32 v39, v6;
	v0 =	vadd.f32 v1, v0;
	v1 =	vmul.f32 v4, v10  }
0x111: {  	v36 =	vor.u32 v33, v36;
	v57 =	vor.u32 v55, v38;
	v4 =	vld.idx.msk [tilespmem:v7+s13+$0x0], $0xffff;
	v7 =	vand.u32 $0x7F, v54  }
0x112: {  	v10 =	vld.idx.msk [tilespmem:v40+s12+$0x0], $0xffff;
	v7 =	vor.u32 v39, v7;
	v0 =	vadd.f32 v1, v0;
	v1 =	vmul.f32 v3, v9  }
0x113: {  	v35 =	vor.u32 v33, v35;
	v62 =	vor.u32 v59, v38;
	v3 =	vld.idx.msk [tilespmem:v5+s13+$0x0], $0xffff;
	v5 =	vand.u32 $0x7F, v57  }
0x114: {  	v9 =	vld.idx.msk [tilespmem:v37+s12+$0x0], $0xffff;
	v5 =	vor.u32 v39, v5;
	v0 =	vadd.f32 v1, v0;
	v1 =	vmul.f32 v2, v63  }
0x115: {  	v58 =	vor.u32 v33, v34;
	v2 =	vld.idx.msk [tilespmem:v6+s13+$0x0], $0xffff;
	v6 =	vand.u32 $0x7F, v62  }
0x116: {  	v63 =	vld.idx.msk [tilespmem:v36+s12+$0x0], $0xffff;
	v6 =	vor.u32 v39, v6;
	v0 =	vadd.f32 v1, v0;
	v1 =	vmul.f32 v4, v8  }
0x117: {  	v4 =	vld.idx.msk [tilespmem:v7+s13+$0x0], $0xffff  }
0x118: {  	v7 =	vld.idx.msk [tilespmem:v35+s12+$0x0], $0xffff;
	v0 =	vadd.f32 v1, v0;
	v1 =	vmul.f32 v3, v10  }
0x119: {  	v3 =	vld.idx.msk [tilespmem:v5+s13+$0x0], $0xffff  }
0x11a: {  	v5 =	vld.idx.msk [tilespmem:v58+s12+$0x0], $0xffff;
	v0 =	vadd.f32 v1, v0;
	v1 =	vmul.f32 v2, v9  }
0x11b: {  	v2 =	vld.idx.msk [tilespmem:v6+s13+$0x0], $0xffff  }
0x11c: {  	v0 =	vadd.f32 v1, v0;
	v1 =	vmul.f32 v4, v63;
	_ =	sdelay $0x1  }
0x11d: {  	v0 =	vadd.f32 v1, v0;
	v1 =	vmul.f32 v3, v7;
	_ =	sdelay $0x1  }
0x11e: {  	v0 =	vadd.f32 v1, v0;
	v1 =	vmul.f32 v2, v5;
	_ =	sdelay $0x1  }
0x11f: {  	v0 =	vadd.f32 v1, v0;
	_ =	sdelay $0x1  }
0x120: {  	v0 =	vsub.f32 $0.0e+00, v0;
	_ =	sdelay $0x1  }
0x121: {  	v0 =	vmul.f32 $1.442695020e+00, v0;
	_ =	sdelay $0x1  }
0x122: {  	(erf) = vpow2.f32 v0;
	_ =	sdelay $0x8  }
0x123: {  	v0 =	vpop (erf)  }
0x124: {  	v0 =	vadd.f32 $1.000000000e+00, v0;
	_ =	sdelay $0x1  }
0x125: {  	(erf) = vrcp.f32 v0;
	_ =	sdelay $0x8  }
0x126: {  	s19 =	sadd.s32 $0x10, s19;
	v0 =	vpop (erf)  }
0x127: {  	s20 =	sadd.s32 $0x10, s20;
	[tilespmem:s19+$0x0] =	vst v0  }
0x128: {  	v0 =	vld [tilespmem:s20+$0x0];
	_ =	sdelay $0x1  }
0x129: {  	v2 =	vld [tilespmem:$0x1FFD0];
	_ =	sdelay $0x2  }
0x12a: {  	v1 =	vmov s22;
	v0 =	vshrl.u32 v0, $0xD  }
0x12b: {  	v10 =	vlaneseq.u32;
	v1 =	vshll.u32 v1, $0x7;
	v4 =	vand.u32 $0x7FFE0, v0  }
0x12c: {  	v63 =	vor.u32 v2, v1;
	v5 =	vand.u32 $0x7FF80, v0;
	v6 =	vor.u32 v59, v4  }
0x12d: {  	v7 =	vor.u32 v48, v4;
	v8 =	vor.u32 v51, v4;
	v9 =	vor.u32 v55, v4  }
0x12e: {  	v40 =	vor.u32 v47, v4;
	v39 =	vor.u32 v29, v4;
	v38 =	vor.u32 v27, v4  }
0x12f: {  	v44 =	vor.u32 v49, v4;
	v42 =	vor.u32 v32, v4;
	v41 =	vor.u32 v31, v4  }
0x130: {  	v48 =	vor.u32 v52, v4;
	v47 =	vor.u32 v53, v4;
	v46 =	vor.u32 v30, v4  }
0x131: {  	v51 =	vor.u32 v56, v4;
	v50 =	vor.u32 v26, v4;
	v49 =	vor.u32 v28, v4  }
0x132: {  	v54 =	vor.u32 v23, v4;
	v53 =	vor.u32 v24, v4;
	v52 =	vor.u32 v25, v4  }
0x133: {  	p1 =	sne.s32 s22, $0xF0;
	v55 =	vor.u32 v20, v4;
	v56 =	vor.u32 v21, v4;
	v60 =	vor.u32 v22, v4  }
.Ltmp1:
0x134: {  	v57 =	vor.u32 v17, v4;
	v58 =	vor.u32 v18, v4;
	v59 =	vor.u32 v19, v4;
	(pc) =	sbr.rel @p1 .LBB2_5-.Ltmp1, $4  }
0x135: {  	v0 =	vor.u32 v14, v4;
	v62 =	vor.u32 v15, v4;
	v61 =	vor.u32 v16, v4  }
0x136: {  	v3 =	vor.u32 v11, v4;
	v2 =	vor.u32 v12, v4;
	v1 =	vor.u32 v13, v4  }
0x137: {  	s21 =	sadd.s32 $0x10, s21;
	v4 =	vor.u32 v10, v4;
	v33 =	vadd.s32 v63, v5;
	v34 =	vand.u32 $0x7F, v6  }
0x138: {  	s22 =	sadd.s32 $0x10, s22;
	v5 =	vld [tilespmem:s21+$0x0];
	v37 =	vand.u32 $0x7F, v7;
	v36 =	vand.u32 $0x7F, v8;
	v35 =	vand.u32 $0x7F, v9  }
0x139: {  	_ =	sdelay $0x2  }
0x13a: {  	v4 =	vand.u32 $0x6F, v4;
	v3 =	vand.u32 $0x7F, v3;
	v2 =	vand.u32 $0x7F, v2  }
0x13b: {  	v1 =	vand.u32 $0x7F, v1;
	v4 =	vor.u32 v33, v4;
	v5 =	vshrl.u32 v5, $0xD  }
0x13c: {  	v3 =	vor.u32 v33, v3;
	v2 =	vor.u32 v33, v2;
	v43 =	vand.u32 $0x7FFE0, v5  }
0x13d: {  	v1 =	vor.u32 v33, v1;
	v5 =	vand.u32 $0x7FF80, v5;
	v6 =	vor.u32 v10, v43  }
0x13e: {  	v45 =	vadd.s32 v63, v5;
	v7 =	vor.u32 v12, v43;
	v6 =	vand.u32 $0x6F, v6  }
0x13f: {  	v8 =	vor.u32 v13, v43;
	v7 =	vand.u32 $0x7F, v7;
	v5 =	vor.u32 v45, v6  }
0x140: {  	v4 =	vld.idx.msk [tilespmem:v4+s12+$0x0], $0xffff;
	v8 =	vand.u32 $0x7F, v8;
	v6 =	vor.u32 v11, v43;
	v7 =	vor.u32 v45, v7  }
0x141: {  	v3 =	vld.idx.msk [tilespmem:v3+s12+$0x0], $0xffff;
	v8 =	vor.u32 v45, v8;
	v6 =	vand.u32 $0x7F, v6  }
0x142: {  	v2 =	vld.idx.msk [tilespmem:v2+s12+$0x0], $0xffff;
	v6 =	vor.u32 v45, v6  }
0x143: {  	v1 =	vld.idx.msk [tilespmem:v1+s12+$0x0], $0xffff  }
0x144: {  	v5 =	vld.idx.msk [tilespmem:v5+s13+$0x0], $0xffff  }
0x145: {  	v7 =	vld.idx.msk [tilespmem:v7+s13+$0x0], $0xffff  }
0x146: {  	v8 =	vld.idx.msk [tilespmem:v8+s13+$0x0], $0xffff  }
0x147: {  	v6 =	vld.idx.msk [tilespmem:v6+s13+$0x0], $0xffff  }
0x148: {  	v0 =	vand.u32 $0x7F, v0  }
0x149: {  	v0 =	vor.u32 v33, v0;
	v9 =	vor.u32 v14, v43  }
0x14a: {  	v4 =	vmul.f32 v5, v4;
	v5 =	vand.u32 $0x7F, v9;
	v9 =	vand.u32 $0x7F, v62  }
0x14b: {  	v2 =	vmul.f32 v7, v2;
	v1 =	vmul.f32 v8, v1;
	v5 =	vor.u32 v45, v5  }
0x14c: {  	v3 =	vmul.f32 v6, v3;
	v6 =	vor.u32 v15, v43;
	v4 =	vadd.f32 $0.0e+00, v4  }
0x14d: {  	v8 =	vor.u32 v17, v43;
	v9 =	vor.u32 v33, v9;
	v6 =	vand.u32 $0x7F, v6  }
0x14e: {  	v8 =	vand.u32 $0x7F, v8;
	v3 =	vadd.f32 v3, v4;
	v4 =	vor.u32 v45, v6  }
0x14f: {  	v0 =	vld.idx.msk [tilespmem:v0+s12+$0x0], $0xffff;
	v7 =	vor.u32 v16, v43;
	v62 =	vor.u32 v45, v8;
	v6 =	vand.u32 $0x7F, v61  }
0x150: {  	v7 =	vand.u32 $0x7F, v7;
	v6 =	vor.u32 v33, v6;
	v5 =	vld.idx.msk [tilespmem:v5+s13+$0x0], $0xffff  }
0x151: {  	v2 =	vadd.f32 v2, v3;
	v3 =	vor.u32 v45, v7;
	v7 =	vand.u32 $0x7F, v57  }
0x152: {  	v9 =	vld.idx.msk [tilespmem:v9+s12+$0x0], $0xffff;
	v7 =	vor.u32 v33, v7  }
0x153: {  	v4 =	vld.idx.msk [tilespmem:v4+s13+$0x0], $0xffff  }
0x154: {  	v1 =	vadd.f32 v1, v2;
	v2 =	vld.idx.msk [tilespmem:v62+s13+$0x0], $0xffff  }
0x155: {  	v6 =	vld.idx.msk [tilespmem:v6+s12+$0x0], $0xffff;
	v0 =	vmul.f32 v5, v0;
	v5 =	vor.u32 v18, v43  }
0x156: {  	v8 =	vand.u32 $0x7F, v58;
	v3 =	vld.idx.msk [tilespmem:v3+s13+$0x0], $0xffff;
	v5 =	vand.u32 $0x7F, v5  }
0x157: {  	v8 =	vor.u32 v33, v8;
	v7 =	vld.idx.msk [tilespmem:v7+s12+$0x0], $0xffff;
	v0 =	vadd.f32 v0, v1;
	v63 =	vor.u32 v45, v5  }
0x158: {  	v5 =	vand.u32 $0x7F, v59;
	v4 =	vmul.f32 v4, v9;
	v9 =	vor.u32 v19, v43  }
0x159: {  	v5 =	vor.u32 v33, v5;
	v9 =	vand.u32 $0x7F, v9  }
0x15a: {  	v0 =	vadd.f32 v4, v0;
	v4 =	vor.u32 v45, v9;
	v9 =	vand.u32 $0x7F, v55  }
0x15b: {  	v3 =	vmul.f32 v3, v6;
	v6 =	vor.u32 v20, v43;
	v9 =	vor.u32 v33, v9  }
0x15c: {  	v8 =	vld.idx.msk [tilespmem:v8+s12+$0x0], $0xffff;
	v6 =	vand.u32 $0x7F, v6;
	v2 =	vmul.f32 v2, v7;
	v7 =	vor.u32 v21, v43  }
0x15d: {  	v1 =	vld.idx.msk [tilespmem:v63+s13+$0x0], $0xffff;
	v0 =	vadd.f32 v3, v0;
	v3 =	vor.u32 v45, v6;
	v6 =	vand.u32 $0x7F, v56  }
0x15e: {  	v7 =	vand.u32 $0x7F, v7;
	v6 =	vor.u32 v33, v6  }
0x15f: {  	v5 =	vld.idx.msk [tilespmem:v5+s12+$0x0], $0xffff;
	v56 =	vor.u32 v45, v7  }
0x160: {  	v4 =	vld.idx.msk [tilespmem:v4+s13+$0x0], $0xffff  }
0x161: {  	v9 =	vld.idx.msk [tilespmem:v9+s12+$0x0], $0xffff  }
0x162: {  	v0 =	vadd.f32 v2, v0;
	v1 =	vmul.f32 v1, v8;
	v3 =	vld.idx.msk [tilespmem:v3+s13+$0x0], $0xffff  }
0x163: {  	v7 =	vand.u32 $0x7F, v60;
	v8 =	vor.u32 v22, v43;
	v6 =	vld.idx.msk [tilespmem:v6+s12+$0x0], $0xffff  }
0x164: {  	v7 =	vor.u32 v33, v7;
	v8 =	vand.u32 $0x7F, v8;
	v2 =	vld.idx.msk [tilespmem:v56+s13+$0x0], $0xffff;
	v0 =	vadd.f32 v1, v0  }
0x165: {  	v57 =	vor.u32 v45, v8;
	v4 =	vmul.f32 v4, v5;
	v5 =	vor.u32 v23, v43  }
0x166: {  	v8 =	vand.u32 $0x7F, v54;
	v5 =	vand.u32 $0x7F, v5  }
0x167: {  	v8 =	vor.u32 v33, v8;
	v0 =	vadd.f32 v4, v0;
	v4 =	vor.u32 v45, v5  }
0x168: {  	v5 =	vand.u32 $0x7F, v53;
	v3 =	vmul.f32 v3, v9;
	v9 =	vor.u32 v24, v43  }
0x169: {  	v7 =	vld.idx.msk [tilespmem:v7+s12+$0x0], $0xffff;
	v5 =	vor.u32 v33, v5;
	v2 =	vmul.f32 v2, v6;
	v6 =	vor.u32 v25, v43  }
0x16a: {  	v9 =	vand.u32 $0x7F, v9;
	v1 =	vld.idx.msk [tilespmem:v57+s13+$0x0], $0xffff;
	v0 =	vadd.f32 v3, v0;
	v6 =	vand.u32 $0x7F, v6  }
0x16b: {  	v3 =	vor.u32 v45, v9;
	v58 =	vor.u32 v45, v6;
	v6 =	vand.u32 $0x7F, v51;
	v51 =	vld [tilespmem:$0x1FFB0];
	_ =	sdelay $0x1  }
0x16c: {  	v8 =	vld.idx.msk [tilespmem:v8+s12+$0x0], $0xffff  }
0x16d: {  	v9 =	vand.u32 $0x7F, v52;
	v4 =	vld.idx.msk [tilespmem:v4+s13+$0x0], $0xffff  }
0x16e: {  	v9 =	vor.u32 v33, v9;
	v5 =	vld.idx.msk [tilespmem:v5+s12+$0x0], $0xffff  }
0x16f: {  	v0 =	vadd.f32 v2, v0;
	v1 =	vmul.f32 v1, v7;
	v3 =	vld.idx.msk [tilespmem:v3+s13+$0x0], $0xffff;
	v7 =	vor.u32 v51, v43  }
0x170: {  	v7 =	vand.u32 $0x7F, v7  }
0x171: {  	v6 =	vor.u32 v33, v6;
	v0 =	vadd.f32 v1, v0;
	v59 =	vor.u32 v45, v7  }
0x172: {  	v7 =	vand.u32 $0x7F, v50;
	v4 =	vmul.f32 v4, v8;
	v8 =	vor.u32 v26, v43  }
0x173: {  	v7 =	vor.u32 v33, v7;
	v8 =	vand.u32 $0x7F, v8  }
0x174: {  	v9 =	vld.idx.msk [tilespmem:v9+s12+$0x0], $0xffff;
	v0 =	vadd.f32 v4, v0;
	v3 =	vmul.f32 v3, v5;
	v5 =	vor.u32 v28, v43  }
0x175: {  	v2 =	vld.idx.msk [tilespmem:v58+s13+$0x0], $0xffff;
	v4 =	vor.u32 v45, v8;
	v5 =	vand.u32 $0x7F, v5  }
0x176: {  	v0 =	vadd.f32 v3, v0;
	v3 =	vor.u32 v45, v5;
	v5 =	vand.u32 $0x7F, v48;
	v48 =	vld [tilespmem:$0x1FFA0]  }
0x177: {  	v6 =	vld.idx.msk [tilespmem:v6+s12+$0x0], $0xffff  }
0x178: {  	v1 =	vld.idx.msk [tilespmem:v59+s13+$0x0], $0xffff  }
0x179: {  	v8 =	vand.u32 $0x7F, v49;
	v7 =	vld.idx.msk [tilespmem:v7+s12+$0x0], $0xffff  }
0x17a: {  	v8 =	vor.u32 v33, v8;
	v2 =	vmul.f32 v2, v9;
	v4 =	vld.idx.msk [tilespmem:v4+s13+$0x0], $0xffff  }
0x17b: {  	v9 =	vor.u32 v48, v43  }
0x17c: {  	v5 =	vor.u32 v33, v5;
	v0 =	vadd.f32 v2, v0;
	v9 =	vand.u32 $0x7F, v9  }
0x17d: {  	v1 =	vmul.f32 v1, v6;
	v60 =	vor.u32 v45, v9;
	v9 =	vand.u32 $0x7F, v47;
	v47 =	vld [tilespmem:$0x1FFC0];
	_ =	sdelay $0x1  }
0x17e: {  	v8 =	vld.idx.msk [tilespmem:v8+s12+$0x0], $0xffff;
	v0 =	vadd.f32 v1, v0;
	v4 =	vmul.f32 v4, v7;
	v7 =	vor.u32 v30, v43  }
0x17f: {  	v3 =	vld.idx.msk [tilespmem:v3+s13+$0x0], $0xffff;
	v7 =	vand.u32 $0x7F, v7  }
0x180: {  	v0 =	vadd.f32 v4, v0;
	v4 =	vor.u32 v45, v7;
	v7 =	vand.u32 $0x7F, v44;
	v44 =	vld [tilespmem:$0x1FF90]  }
0x181: {  	v5 =	vld.idx.msk [tilespmem:v5+s12+$0x0], $0xffff;
	v9 =	vor.u32 v33, v9;
	v6 =	vor.u32 v47, v43  }
0x182: {  	v2 =	vld.idx.msk [tilespmem:v60+s13+$0x0], $0xffff;
	v6 =	vand.u32 $0x7F, v6  }
0x183: {  	v61 =	vor.u32 v45, v6  }
0x184: {  	v3 =	vmul.f32 v3, v8;
	v6 =	vand.u32 $0x7F, v46  }
0x185: {  	v6 =	vor.u32 v33, v6;
	v8 =	vor.u32 v44, v43  }
0x186: {  	v7 =	vor.u32 v33, v7;
	v0 =	vadd.f32 v3, v0;
	v9 =	vld.idx.msk [tilespmem:v9+s12+$0x0], $0xffff;
	v8 =	vand.u32 $0x7F, v8  }
0x187: {  	v4 =	vld.idx.msk [tilespmem:v4+s13+$0x0], $0xffff;
	v3 =	vor.u32 v45, v8;
	v2 =	vmul.f32 v2, v5;
	v5 =	vor.u32 v32, v43  }
0x188: {  	v5 =	vand.u32 $0x7F, v5;
	v1 =	vld.idx.msk [tilespmem:v61+s13+$0x0], $0xffff  }
0x189: {  	v8 =	vand.u32 $0x7F, v42;
	v62 =	vor.u32 v45, v5;
	v5 =	vand.u32 $0x7F, v41;
	v41 =	vld [tilespmem:$0x1FF80]  }
0x18a: {  	v8 =	vor.u32 v33, v8;
	v6 =	vld.idx.msk [tilespmem:v6+s12+$0x0], $0xffff  }
0x18b: {  	v7 =	vld.idx.msk [tilespmem:v7+s12+$0x0], $0xffff  }
0x18c: {  	v3 =	vld.idx.msk [tilespmem:v3+s13+$0x0], $0xffff  }
0x18d: {  	v0 =	vadd.f32 v2, v0;
	v1 =	vmul.f32 v1, v9;
	v9 =	vor.u32 v31, v43  }
0x18e: {  	v10 =	vand.u32 $0x7F, v39;
	v39 =	vld [tilespmem:$0x1FF60];
	v5 =	vor.u32 v33, v5;
	v9 =	vand.u32 $0x7F, v9  }
0x18f: {  	v8 =	vld.idx.msk [tilespmem:v8+s12+$0x0], $0xffff;
	v4 =	vmul.f32 v4, v6;
	v6 =	vor.u32 v41, v43;
	v0 =	vadd.f32 v1, v0  }
0x190: {  	v2 =	vld.idx.msk [tilespmem:v62+s13+$0x0], $0xffff;
	v63 =	vor.u32 v45, v9;
	v9 =	vand.u32 $0x7F, v40;
	v6 =	vand.u32 $0x7F, v6  }
0x191: {  	v9 =	vor.u32 v33, v9;
	v3 =	vmul.f32 v3, v7;
	v7 =	vand.u32 $0x7F, v38;
	v38 =	vld [tilespmem:$0x1FF50]  }
0x192: {  	v50 =	vld [tilespmem:$0x1FF40];
	v6 =	vor.u32 v45, v6;
	v0 =	vadd.f32 v4, v0;
	v4 =	vor.u32 v29, v43  }
0x193: {  	v10 =	vor.u32 v33, v10;
	v46 =	vld [tilespmem:$0x1FF70];
	v4 =	vand.u32 $0x7F, v4  }
0x194: {  	v5 =	vld.idx.msk [tilespmem:v5+s12+$0x0], $0xffff;
	v40 =	vor.u32 v27, v43;
	v4 =	vor.u32 v45, v4  }
0x195: {  	v0 =	vadd.f32 v3, v0;
	v3 =	vor.u32 v33, v7;
	v7 =	vand.u32 $0x7F, v40;
	v1 =	vld.idx.msk [tilespmem:v63+s13+$0x0], $0xffff  }
0x196: {  	v2 =	vmul.f32 v2, v8;
	v7 =	vor.u32 v45, v7;
	v9 =	vld.idx.msk [tilespmem:v9+s12+$0x0], $0xffff;
	v8 =	vor.u32 v38, v43  }
0x197: {  	v37 =	vor.u32 v33, v37;
	v42 =	vor.u32 v39, v43;
	v6 =	vld.idx.msk [tilespmem:v6+s13+$0x0], $0xffff;
	v8 =	vand.u32 $0x7F, v8  }
0x198: {  	v10 =	vld.idx.msk [tilespmem:v10+s12+$0x0], $0xffff;
	v0 =	vadd.f32 v2, v0;
	v2 =	vand.u32 $0x7F, v42;
	v8 =	vor.u32 v45, v8  }
0x199: {  	v36 =	vor.u32 v33, v36;
	v2 =	vor.u32 v45, v2;
	v4 =	vld.idx.msk [tilespmem:v4+s13+$0x0], $0xffff  }
0x19a: {  	v60 =	vor.u32 v50, v43;
	v3 =	vld.idx.msk [tilespmem:v3+s12+$0x0], $0xffff;
	v1 =	vmul.f32 v1, v5;
	v5 =	vor.u32 v46, v43  }
0x19b: {  	v49 =	vor.u32 v33, v35;
	v62 =	vand.u32 $0x7F, v60;
	v7 =	vld.idx.msk [tilespmem:v7+s13+$0x0], $0xffff;
	v5 =	vand.u32 $0x7F, v5  }
0x19c: {  	v6 =	vmul.f32 v6, v9;
	v9 =	vld.idx.msk [tilespmem:v37+s12+$0x0], $0xffff;
	v0 =	vadd.f32 v1, v0;
	v5 =	vor.u32 v45, v5  }
0x19d: {  	v61 =	vor.u32 v33, v34;
	v34 =	vor.u32 v45, v62;
	v8 =	vld.idx.msk [tilespmem:v8+s13+$0x0], $0xffff  }
0x19e: {  	v2 =	vld.idx.msk [tilespmem:v2+s13+$0x0], $0xffff;
	v0 =	vadd.f32 v6, v0;
	v4 =	vmul.f32 v4, v10  }
0x19f: {  	v6 =	vld.idx.msk [tilespmem:v36+s12+$0x0], $0xffff  }
0x1a0: {  	v1 =	vld.idx.msk [tilespmem:v49+s12+$0x0], $0xffff;
	v3 =	vmul.f32 v7, v3;
	v0 =	vadd.f32 v4, v0  }
0x1a1: {  	v4 =	vld.idx.msk [tilespmem:v5+s13+$0x0], $0xffff  }
0x1a2: {  	v7 =	vld.idx.msk [tilespmem:v34+s13+$0x0], $0xffff;
	v0 =	vadd.f32 v3, v0;
	v3 =	vmul.f32 v8, v9  }
0x1a3: {  	v5 =	vld.idx.msk [tilespmem:v61+s12+$0x0], $0xffff  }
0x1a4: {  	v2 =	vmul.f32 v2, v6;
	v0 =	vadd.f32 v3, v0;
	_ =	sdelay $0x1  }
0x1a5: {  	v0 =	vadd.f32 v2, v0;
	v1 =	vmul.f32 v4, v1;
	_ =	sdelay $0x1  }
0x1a6: {  	v63 =	vmul.f32 v7, v5;
	v0 =	vadd.f32 v1, v0;
	_ =	sdelay $0x1  }
0x1a7: {  	v0 =	vadd.f32 v63, v0;
	_ =	sdelay $0x1  }
0x1a8: {  	v0 =	vsub.f32 $0.0e+00, v0;
	_ =	sdelay $0x1  }
0x1a9: {  	v0 =	vmul.f32 $1.442695020e+00, v0;
	_ =	sdelay $0x1  }
0x1aa: {  	(erf) = vpow2.f32 v0;
	_ =	sdelay $0x8  }
0x1ab: {  	v0 =	vpop (erf)  }
0x1ac: {  	v0 =	vadd.f32 $1.000000000e+00, v0;
	_ =	sdelay $0x1  }
0x1ad: {  	(erf) = vrcp.f32 v0;
	_ =	sdelay $0x4  }
0x1ae: {  	v55 =	vmov v23  }
.Ltmp2:
0x1af: {  	v56 =	vmovc v24;
	v23 =	vmovc v32;
	v24 =	vmov v31;
	v57 =	vmov v25;
	v52 =	vmov v26;
	(pc) =	sbr.rel @p0 .LBB2_4-.Ltmp2, $4  }
0x1b0: {  	v58 =	vmovc v21;
	v21 =	vmovc v30;
	v26 =	vmov v29;
	v59 =	vmov v22;
	v60 =	vmov v20  }
0x1b1: {  	v20 =	vmovc v48;
	v25 =	vmovc v41;
	v31 =	vmov v46;
	v10 =	vlaneseq.u32;
	v34 =	vmov v44  }
0x1b2: {  	s19 =	sadd.s32 $0x10, s19;
	v61 =	vmov v18;
	v18 =	vmov v47;
	v9 =	vmov v51;
	v0 =	vpop (erf)  }
0x1b3: {  	p1 =	por $0x0, $0x0;
	v8 =	vmovc v38;
	v6 =	vld [tilespmem:$0x1FFD0];
	v7 =	vmovc v39;
	v4 =	vmov v50;
	v63 =	vmov v19;
	v19 =	vmov v28;
	[tilespmem:s19+$0x0] =	vst v0;
	s19 =	simm.s32 $0x100  }
0x1b4: {  	s17 =	sadd.s32 $0x1, s17  }
0x1b5: {  	p0 =	sne.s32 s17, s8  }
.Ltmp3:
0x1b6: {  	_ = 	snop;
	(pc) =	sbr.rel @p0 .LBB2_1-.Ltmp3, $4  }
0x1b7: {  	[hbm4b:s7+s1] =	stream.linear.scatter [tilespmem:s16], [sflag:$0x3], $0x200, $0x38;
	[tilespmem:$0x10A00] =	vst v63  }
0x1b8: {  	_ =	swait.ge [sflag:s9], $0x200  }
0x1b9: {  	[sflag:s9] =	ssyncset.done $0x0  }
0x1ba: {  	[sflag:s9] =	ssyncadd.s32 $0xFFFFFE00  }
0x1bb: {  	_ =	sfence.sel $0x180000  }
0x1bc: {  	[bflag:$0x0] =	sbarrier.arrive $0xFFFF  }
0x1bd: {  	p0 =	sne.s32 s2, $0x0;
	_ =	strace $0x90000047  }
0x1be: {  	s0 =	sadd.s32 @!p0 $0x100000, s0;
	[bflag:$0x2] =	sbarrier.arrive $0xFFFF  }
0x1bf: {  	[sflag:s0] =	ssyncadd.tile.s32 @!p0 $0x1;
	_ =	shalt  }
.Lfunc_end2:
_tile_overlayer_lowered:
.L_overlay_start_2:
0x1c0: {  	(tag) =	ssettag $0x2  }
0x1c1: {  	s0 =	rddreg [dreg:$0x0];
	s2 =	stileid.u32  }
0x1c2: {  	s1 =	rddreg [dreg:$0x1];
	p0 =	sne.s32 s2, $0x0  }
0x1c3: {  	s3 =	rddreg [dreg:$0x2];
	[bflag:$0x3] =	sbarrier.arrive $0xFFFF;
	s2 =	simm.s32 @!p0 $0x1C03  }
0x1c4: {  	[timem:s3], [sflag:s2] =	dma.local @!p0 [hbm:s0], s1  }
0x1c5: {  	s0 =	simm.s32 @!p0 $0x3  }
0x1c6: {  	_ =	swait.ge @!p0 [sflag:s0], s1  }
0x1c7: {  	s1 =	ssub.s32 @!p0 $0x0, s1;
	[sflag:s0] =	ssyncset.done @!p0 $0x0  }
0x1c8: {  	[sflag:s0] =	ssyncadd.s32 @!p0 s1  }
0x1c9: {  	[bflag:$0x3] =	sbarrier.arrive $0xFFFF  }
0x1ca: {  	_ =	shalt  }

</sc_bundles>
